<compile_context>
chip_gen: v7x
topology: tpu7x:2x2x1
jax: 0.10.2.dev20260603
libtpu: 0.0.44.dev20260713+nightly
codegen_flags: <defaults>
</compile_context>

<pallas_src>
import functools

import jax
import jax.numpy as jnp
import numpy as np
from jax import lax
from jax.experimental import pallas as pl
from jax.experimental.pallas import tpu as pltpu
from jax.experimental.pallas import tpu_sc as plsc

_H = 512
_P = 16
_G = _H // _P
_NP = _G * _G
_EPS_BN = 1e-5
_MASK_RATIO = 0.75

_kn = (np.outer(np.arange(_H), np.arange(_H)) % _H).astype(np.float64)
_ang = (2.0 * np.pi / _H) * _kn
_COS_NP = np.cos(_ang).astype(np.float32)
_SIN_NP = np.sin(_ang).astype(np.float32)
_POOL_NP = np.zeros((_G, _H), np.float32)
_POOL_NP[np.arange(_H) // _P, np.arange(_H)] = 1.0
_P1_NP = np.zeros((_G, 264), np.float32)
_P1_NP[:, :_H // 2 + 1] = _POOL_NP[:, :_H // 2 + 1]
_RM_NP = np.zeros((255, 264), np.float32)
_RM_NP[np.arange(255), 255 - np.arange(255)] = 1.0
_P2R_NP = _POOL_NP[:, _H // 2 + 1:] @ _RM_NP
_QC_NP = np.zeros((_H, _H), np.float32)
_QC_NP[(_H - np.arange(_H)) % _H, np.arange(_H)] = 1.0
_QPT_NP = _QC_NP @ _POOL_NP.T

_HIGH = jax.lax.Precision.HIGHEST


def _mm(a, b):
    return jnp.dot(a, b, precision=_HIGH, preferred_element_type=jnp.float32)


def _pool_sym(mpad, p1_ref, p2r_ref, pt_ref, qpt_ref):
    return (_mm(p1_ref[...], _mm(mpad, pt_ref[...]))
            + _mm(p2r_ref[...], _mm(mpad, qpt_ref[...])))


def _sym_sum(x):
    return (2.0 * jnp.sum(x) - jnp.sum(x[0:1, :]) - jnp.sum(x[256:257, :]))


def _dft_body(img_ref, c_ref, s_ref, p1_ref, p2r_ref, pt_ref, qpt_ref,
              m_ref, e_ref, st_ref):
    im = img_ref[0]
    c = c_ref[...]
    s = s_ref[...]
    t1r = _mm(c[0:257, :], im)
    t1i = -_mm(s[0:257, :], im)
    xr = _mm(t1r, c) + _mm(t1i, s)
    xi = _mm(t1i, c) - _mm(t1r, s)
    mtop = jnp.sqrt(xr * xr + xi * xi) * (1.0 / _H)
    mpad = jnp.concatenate(
        [mtop, jnp.zeros((7, _H), jnp.float32)], axis=0)
    m_ref[0] = mpad
    e_ref[0] = _pool_sym(mpad, p1_ref, p2r_ref, pt_ref, qpt_ref)
    s1 = _sym_sum(mpad)
    s2 = _sym_sum(mpad * mpad)
    lane = lax.broadcasted_iota(jnp.int32, (1, 128), 1)
    st_ref[0] = jnp.where(lane == 0, s1, jnp.where(lane == 1, s2, 0.0))


def _bf16_rne(x):
    u = jax.lax.bitcast_convert_type(x, jnp.uint32)
    u = u + jnp.uint32(0x7FFF) + ((u >> 16) & jnp.uint32(1))
    return jax.lax.bitcast_convert_type(u & jnp.uint32(0xFFFF0000),
                                        jnp.float32)


def _fw_body(m_ref, e_ref, p1_ref, p2r_ref, pt_ref, qpt_ref, par_ref,
             out_ref):
    mag = m_ref[0]
    acc = jnp.zeros((264, _H), jnp.float32)
    for o in range(16):
        w1o = par_ref[o]
        muo = par_ref[16 + o]
        deno = par_ref[32 + o]
        go = par_ref[48 + o]
        bo = par_ref[64 + o]
        w2q = par_ref[80 + o]
        t = w1o * mag
        t = (t - muo) / deno
        t = t * go + bo
        t = jnp.maximum(t, 0.0)
        acc = acc + w2q * _bf16_rne(t)
    fw_sum = _pool_sym(acc, p1_ref, p2r_ref, pt_ref, qpt_ref)
    fw_mean = fw_sum * (1.0 / (_P * _P)) + par_ref[96]
    sig = 1.0 / (1.0 + jnp.exp(-fw_mean))
    out_ref[0] = (e_ref[0] * (1.0 / (_P * _P))) * sig


def _rank_body(er_ref, ec_ref, nr_ref, nc_ref, mask_ref, idr_ref, idk_ref,
               len_keep: int, len_remove: int, L: int):
    e_r = er_ref[0]
    e_c = ec_ref[0]
    n_r = nr_ref[0]
    n_c = nc_ref[0]
    io = lax.broadcasted_iota(jnp.int32, (L, L), 0)
    jo = lax.broadcasted_iota(jnp.int32, (L, L), 1)
    gt = (e_r > e_c) | ((e_r == e_c) & (jo < io))
    rank_e_col = jnp.sum(gt.astype(jnp.int32), axis=1, keepdims=True)
    keep_col = rank_e_col < len_remove
    ltn = (n_c < n_r) | ((n_c == n_r) & (io < jo))
    rank_n_row = jnp.sum(ltn.astype(jnp.int32), axis=0, keepdims=True)
    idr_ref[0] = rank_n_row
    sel = (io == rank_n_row) & keep_col
    mask_ref[0] = jnp.sum(sel.astype(jnp.float32), axis=0, keepdims=True)
    ik = lax.broadcasted_iota(jnp.int32, (len_keep, L), 0)
    jk = lax.broadcasted_iota(jnp.int32, (len_keep, L), 1)
    hit = ik == rank_n_row
    idk_ref[0] = jnp.sum(jnp.where(hit, jk, 0), axis=1, keepdims=True)


@functools.lru_cache(maxsize=None)
def _build_sc_gather(V: int, D: int, B: int):
    info = plsc.get_sparse_core_info()
    nc, ns = info.num_cores, info.num_subcores
    nw = nc * ns
    b_per_w = B // nw
    chunk = 128
    nchunks = b_per_w // chunk
    mesh = plsc.VectorSubcoreMesh(core_axis_name="c", subcore_axis_name="s")

    @functools.partial(
        pl.kernel,
        mesh=mesh,
        out_type=jax.ShapeDtypeStruct((B, D), jnp.float32),
        scratch_types=[
            pltpu.VMEM((b_per_w,), jnp.int32),
            pltpu.VMEM((chunk, D), jnp.float32),
            pltpu.SemaphoreType.DMA,
        ],
    )
    def gather_kernel(table_hbm, idx_hbm, out_hbm, idx_v, rows_v, sem):
        wid = lax.axis_index("s") * nc + lax.axis_index("c")
        base = wid * b_per_w
        pltpu.sync_copy(idx_hbm.at[pl.ds(base, b_per_w)], idx_v)
        for ci in range(nchunks):
            pltpu.async_copy(
                table_hbm.at[idx_v.at[pl.ds(ci * chunk, chunk)]],
                rows_v, sem).wait()
            pltpu.sync_copy(rows_v, out_hbm.at[pl.ds(base + ci * chunk, chunk)])

    return gather_kernel


def _tc_pipeline(img, x, W1, gamma, beta, W2, b2):
    N, L, D = x.shape
    len_remove = int(L * _MASK_RATIO)
    len_keep = L - len_remove

    cmat = jnp.asarray(_COS_NP)
    smat = jnp.asarray(_SIN_NP)
    p1 = jnp.asarray(_P1_NP)
    p2r = jnp.asarray(_P2R_NP)
    poolT = jnp.asarray(_POOL_NP.T)
    qpt = jnp.asarray(_QPT_NP)

    img2 = img.reshape(N, _H, _H)

    mag, e_sums, stats = pl.pallas_call(
        _dft_body,
        grid=(N,),
        in_specs=[
            pl.BlockSpec((1, _H, _H), lambda n: (n, 0, 0)),
            pl.BlockSpec((_H, _H), lambda n: (0, 0)),
            pl.BlockSpec((_H, _H), lambda n: (0, 0)),
            pl.BlockSpec((_G, 264), lambda n: (0, 0)),
            pl.BlockSpec((_G, 264), lambda n: (0, 0)),
            pl.BlockSpec((_H, _G), lambda n: (0, 0)),
            pl.BlockSpec((_H, _G), lambda n: (0, 0)),
        ],
        out_specs=[
            pl.BlockSpec((1, 264, _H), lambda n: (n, 0, 0)),
            pl.BlockSpec((1, _G, _G), lambda n: (n, 0, 0)),
            pl.BlockSpec((1, 1, 128), lambda n: (n, 0, 0)),
        ],
        out_shape=[
            jax.ShapeDtypeStruct((N, 264, _H), jnp.float32),
            jax.ShapeDtypeStruct((N, _G, _G), jnp.float32),
            jax.ShapeDtypeStruct((N, 1, 128), jnp.float32),
        ],
    )(img2, cmat, smat, p1, p2r, poolT, qpt)

    tot = float(N * _H * _H)
    s1 = jnp.sum(stats[:, 0, 0])
    s2 = jnp.sum(stats[:, 0, 1])
    mean_m = s1 / tot
    var_m = s2 / tot - mean_m * mean_m
    w1 = W1.reshape(16)
    mu_ch = w1 * mean_m
    den_ch = jnp.sqrt(w1 * w1 * var_m + _EPS_BN)
    w2u = jax.lax.bitcast_convert_type(W2.reshape(16), jnp.uint32)
    w2u = w2u + jnp.uint32(0x7FFF) + ((w2u >> 16) & jnp.uint32(1))
    w2q = jax.lax.bitcast_convert_type(w2u & jnp.uint32(0xFFFF0000),
                                       jnp.float32)
    params = jnp.concatenate(
        [w1, mu_ch, den_ch, gamma, beta, w2q, b2.reshape(1),
         jnp.zeros((31,), jnp.float32)])

    energy = pl.pallas_call(
        _fw_body,
        grid=(N,),
        in_specs=[
            pl.BlockSpec((1, 264, _H), lambda n: (n, 0, 0)),
            pl.BlockSpec((1, _G, _G), lambda n: (n, 0, 0)),
            pl.BlockSpec((_G, 264), lambda n: (0, 0)),
            pl.BlockSpec((_G, 264), lambda n: (0, 0)),
            pl.BlockSpec((_H, _G), lambda n: (0, 0)),
            pl.BlockSpec((_H, _G), lambda n: (0, 0)),
            pl.BlockSpec(memory_space=pltpu.SMEM),
        ],
        out_specs=pl.BlockSpec((1, _G, _G), lambda n: (n, 0, 0)),
        out_shape=jax.ShapeDtypeStruct((N, _G, _G), jnp.float32),
    )(mag, e_sums, p1, p2r, poolT, qpt, params)

    noise = jax.random.uniform(jax.random.key(42), (N, L), dtype=jnp.float32)
    e_row = energy.reshape(N, 1, L)
    e_col = energy.reshape(N, L, 1)
    n_row = noise.reshape(N, 1, L)
    n_col = noise.reshape(N, L, 1)

    mask3, idr3, idk3 = pl.pallas_call(
        functools.partial(_rank_body, len_keep=len_keep,
                          len_remove=len_remove, L=L),
        grid=(N,),
        in_specs=[
            pl.BlockSpec((1, 1, L), lambda n: (n, 0, 0)),
            pl.BlockSpec((1, L, 1), lambda n: (n, 0, 0)),
            pl.BlockSpec((1, 1, L), lambda n: (n, 0, 0)),
            pl.BlockSpec((1, L, 1), lambda n: (n, 0, 0)),
        ],
        out_specs=[
            pl.BlockSpec((1, 1, L), lambda n: (n, 0, 0)),
            pl.BlockSpec((1, 1, L), lambda n: (n, 0, 0)),
            pl.BlockSpec((1, len_keep, 1), lambda n: (n, 0, 0)),
        ],
        out_shape=[
            jax.ShapeDtypeStruct((N, 1, L), jnp.float32),
            jax.ShapeDtypeStruct((N, 1, L), jnp.int32),
            jax.ShapeDtypeStruct((N, len_keep, 1), jnp.int32),
        ],
    )(e_row, e_col, n_row, n_col)

    mask = mask3.reshape(N, L)
    ids_restore = idr3.reshape(N, L)
    ids_keep = idk3.reshape(N, len_keep)
    return mask, ids_restore, ids_keep


def kernel(img, x, W1, gamma, beta, W2, b2):
    N, L, D = x.shape
    mask, ids_restore, ids_keep = _tc_pipeline(
        img, x, W1, gamma, beta, W2, b2)
    len_keep = ids_keep.shape[1]
    flat_idx = ids_keep + jnp.arange(N, dtype=jnp.int32)[:, None] * L
    x_flat = x.reshape(N * L, D)
    gather = _build_sc_gather(N * L, D, N * len_keep)
    x_masked = gather(x_flat, flat_idx.reshape(-1)).reshape(N, len_keep, D)
    return (x_masked, mask, ids_restore, ids_keep)

# --- scband reference (transcript-rebuilt; emitter-appended) ---
"""Pipeline reference for scband-frequency-aware-masking-86509231276347 (READ-ONLY COPY).

The authoritative reference and input builder live on the scoring server;
editing this copy changes nothing except your own understanding.
"""

import jax, jax.numpy as jnp
import numpy as np

P = 16
MASK_RATIO = 0.75
EPS_BN = 1e-5

def setup_inputs(seed: int = 0) -> dict:
    key = jax.random.key(seed)
    k1, k2, k3, k4 = jax.random.split(key, 4)
    img = jax.random.normal(k1, (64, 1, 512, 512), dtype=jnp.float32)
    x = jax.random.normal(k2, (64, 1024, 768), dtype=jnp.float32)
    # conv1: 1x1 conv in_channels=1 -> attention_channel=16, kaiming fan_out (fan_out=16)
    W1 = jax.random.normal(k3, (16, 1), dtype=jnp.float32) * jnp.sqrt(2.0 / 16.0)
    gamma = jnp.ones((16,), dtype=jnp.float32)
    beta = jnp.zeros((16,), dtype=jnp.float32)
    # conv2: 1x1 conv 16 -> 1, kaiming fan_out (fan_out=1)
    W2 = jax.random.normal(k4, (1, 16), dtype=jnp.float32) * jnp.sqrt(2.0 / 1.0)
    b2 = jnp.zeros((1,), dtype=jnp.float32)
    return {"img": img, "x": x, "W1": W1, "gamma": gamma, "beta": beta, "W2": W2, "b2": b2}

def _patchify(t, N, C, h, p):
    # equivalent to torch unfold(2,p,p).unfold(3,p,p): [N,C,H,W] -> [N,C,h*h,p,p]
    return t.reshape(N, C, h, p, h, p).transpose(0, 1, 2, 4, 3, 5).reshape(N, C, h * h, p, p)

def reference(img, x, W1, gamma, beta, W2, b2):
    N, L, D = x.shape
    C = img.shape[1]
    H = img.shape[2]
    p = P
    h = H // p
    fft = jnp.fft.fft2(img, norm='ortho')
    magnitude = jnp.abs(fft)
    patches = _patchify(magnitude, N, C, h, p)
    energy = patches.mean(axis=(3, 4))  # [N, C, h*h]
    energy = energy.mean(axis=1)  # [N, h*h]
    # freq_weight_conv: 1x1 conv -> BN(training stats) -> ReLU -> 1x1 conv + bias
    y1 = jnp.einsum('oc,nchw->nohw', W1, magnitude)
    mu = y1.mean(axis=(0, 2, 3), keepdims=True)
    var = y1.var(axis=(0, 2, 3), keepdims=True)
    y1 = (y1 - mu) / jnp.sqrt(var + EPS_BN)
    y1 = y1 * gamma.reshape(1, -1, 1, 1) + beta.reshape(1, -1, 1, 1)
    y1 = jnp.maximum(y1, 0.0)
    fw = jnp.einsum('oc,nohw->nchw'.replace('c','q'), W2, y1)
    fw = jnp.einsum('oi,nihw->nohw', W2, y1) + b2.reshape(1, -1, 1, 1)  # [N,1,H,W]
    fwp = fw.reshape(N, 1, h, p, h, p).transpose(0, 1, 2, 4, 3, 5).reshape(N, 1, h * h, p * p)
    freq_weights = fwp.mean(axis=3).reshape(N, h * h)
    freq_weights = jax.nn.sigmoid(freq_weights)
    energy = energy * freq_weights
    energy = (energy - energy.min()) / (energy.max() - energy.min() + 1e-08)
    len_remove = int(L * MASK_RATIO)
    indices = jnp.argsort(-energy, axis=1)  # descending sort indices
    rows = jnp.arange(N)[:, None]
    mask = jnp.zeros((N, L), dtype=jnp.float32).at[rows, indices[:, :len_remove]].set(1.0)
    noise = jax.random.uniform(jax.random.key(42), (N, L), dtype=jnp.float32)
    ids_shuffle = jnp.argsort(noise, axis=1)
    ids_restore = jnp.argsort(ids_shuffle, axis=1)
    ids_keep = ids_shuffle[:, :int(L * (1 - MASK_RATIO))]
    x_masked = x[rows, ids_keep]  # [N, L_keep, D]
    mask = jnp.take_along_axis(mask, ids_restore, axis=1)
    return (x_masked, mask, ids_restore, ids_keep)

if __name__ == "__main__":
    import jax
    _d = setup_inputs()
    print(jax.jit(kernel)(*tuple(_d.values())))

</pallas_src>

<mosaic_0001>
#map = affine_map<(d0, d1) -> (0, 0)>
#map1 = affine_map<(d0, d1) -> (0)>
module attributes {stable_mosaic.version = 14 : i64} {
  func.func @gather_kernel(%arg0: i32, %arg1: i32, %arg2: memref<65536x768xf32, #tpu.memory_space<hbm>>, %arg3: memref<16384xi32, #tpu.memory_space<hbm>>, %arg4: memref<16384x768xf32, #tpu.memory_space<hbm>>, %arg5: memref<512xi32, #tpu.memory_space<vmem>>, %arg6: memref<128x768xf32, #tpu.memory_space<vmem>>, %arg7: memref<!tpu.dma_semaphore, #tpu.memory_space<semaphore_mem>>) attributes {dimension_semantics = [#tpu.dimension_semantics<core_parallel>, #tpu.dimension_semantics<subcore_parallel>], iteration_bounds = array<i64: 2, 16>, scalar_prefetch = 0 : i64, scratch_operands = 3 : i64, tpu.core_type = #tpu.core_type<sc_vector_subcore>, window_params = [{transform_indices = #map}, {transform_indices = #map1}, {transform_indices = #map}]} {
    %mul3A = arith.constant 2 : i32
    %mul3A_0 = arith.muli %arg1, %mul3A : i32
    %add3A = arith.addi %mul3A_0, %arg0 : i32
    %mul3A_1 = arith.constant 512 : i32
    %mul3A_2 = arith.muli %add3A, %mul3A_1 : i32
    "tpu.region"() ({
      %run_scoped3A = tpu.sem_alloc : memref<!tpu.dma_semaphore, #tpu.memory_space<semaphore_mem>>
      %dma_start3A_49 = tpu.memref_slice %arg3[%mul3A_2] : memref<16384xi32, #tpu.memory_space<hbm>> -> memref<512xi32, #tpu.memory_space<hbm>>
      %dma_start3A_50 = tpu.memref_slice %arg3[%mul3A_2] : memref<16384xi32, #tpu.memory_space<hbm>> -> memref<512xi32, #tpu.memory_space<hbm>>
      tpu.enqueue_dma source(%dma_start3A_50 : memref<512xi32, #tpu.memory_space<hbm>>) target(%arg5 : memref<512xi32, #tpu.memory_space<vmem>>) target_semaphore(%run_scoped3A : memref<!tpu.dma_semaphore, #tpu.memory_space<semaphore_mem>>)
      %dma_wait3A_51 = tpu.memref_slice %arg3[%mul3A_2] : memref<16384xi32, #tpu.memory_space<hbm>> -> memref<512xi32, #tpu.memory_space<hbm>>
      %dma_wait3A_52 = tpu.memref_slice %arg3[%mul3A_2] : memref<16384xi32, #tpu.memory_space<hbm>> -> memref<512xi32, #tpu.memory_space<hbm>>
      tpu.wait_dma2 semaphore(%run_scoped3A : memref<!tpu.dma_semaphore, #tpu.memory_space<semaphore_mem>>) src(%dma_wait3A_52 : memref<512xi32, #tpu.memory_space<hbm>>) dst(%arg5 : memref<512xi32, #tpu.memory_space<vmem>>)
      tpu.yield
    }) : () -> ()
    %dma_start3A = arith.constant 0 : i32
    %dma_start3A_3 = tpu.memref_slice %arg5[%dma_start3A] : memref<512xi32, #tpu.memory_space<vmem>> -> memref<128xi32, #tpu.memory_space<vmem>>
    %dma_start3A_4 = arith.constant 0 : i32
    %dma_start3A_5 = arith.constant 0 : i32
    %dma_start3A_6 = tpu.memref_slice %arg2[%dma_start3A_4, %dma_start3A_5] : memref<65536x768xf32, #tpu.memory_space<hbm>> -> memref<65536x768xf32, #tpu.memory_space<hbm>>
    tpu.enqueue_indirect_dma source(%dma_start3A_6 : memref<65536x768xf32, #tpu.memory_space<hbm>>) target(%arg6 : memref<128x768xf32, #tpu.memory_space<vmem>>) offsets(%dma_start3A_3 : memref<128xi32, #tpu.memory_space<vmem>>) semaphore(%arg7 : memref<!tpu.dma_semaphore, #tpu.memory_space<semaphore_mem>>)
    %dma_wait3A = arith.constant 0 : i32
    %dma_wait3A_7 = tpu.memref_slice %arg5[%dma_wait3A] : memref<512xi32, #tpu.memory_space<vmem>> -> memref<128xi32, #tpu.memory_space<vmem>>
    %dma_wait3A_8 = arith.constant 0 : i32
    %dma_wait3A_9 = arith.constant 0 : i32
    %dma_wait3A_10 = tpu.memref_slice %arg2[%dma_wait3A_8, %dma_wait3A_9] : memref<65536x768xf32, #tpu.memory_space<hbm>> -> memref<65536x768xf32, #tpu.memory_space<hbm>>
    tpu.wait_indirect_dma semaphore(%arg7 : memref<!tpu.dma_semaphore, #tpu.memory_space<semaphore_mem>>) src(%dma_wait3A_10 : memref<65536x768xf32, #tpu.memory_space<hbm>>) dst(%arg6 : memref<128x768xf32, #tpu.memory_space<vmem>>)
    %add3A_11 = arith.constant 0 : i32
    %add3A_12 = arith.addi %mul3A_2, %add3A_11 : i32
    "tpu.region"() ({
      %run_scoped3A = tpu.sem_alloc : memref<!tpu.dma_semaphore, #tpu.memory_space<semaphore_mem>>
      %dma_start3A_49 = arith.constant 0 : i32
      %dma_start3A_50 = tpu.memref_slice %arg4[%add3A_12, %dma_start3A_49] : memref<16384x768xf32, #tpu.memory_space<hbm>> -> memref<128x768xf32, #tpu.memory_space<hbm>>
      %dma_start3A_51 = arith.constant 0 : i32
      %dma_start3A_52 = tpu.memref_slice %arg4[%add3A_12, %dma_start3A_51] : memref<16384x768xf32, #tpu.memory_space<hbm>> -> memref<128x768xf32, #tpu.memory_space<hbm>>
      tpu.enqueue_dma source(%arg6 : memref<128x768xf32, #tpu.memory_space<vmem>>) target(%dma_start3A_52 : memref<128x768xf32, #tpu.memory_space<hbm>>) target_semaphore(%run_scoped3A : memref<!tpu.dma_semaphore, #tpu.memory_space<semaphore_mem>>)
      %dma_wait3A_53 = arith.constant 0 : i32
      %dma_wait3A_54 = tpu.memref_slice %arg4[%add3A_12, %dma_wait3A_53] : memref<16384x768xf32, #tpu.memory_space<hbm>> -> memref<128x768xf32, #tpu.memory_space<hbm>>
      %dma_wait3A_55 = arith.constant 0 : i32
      %dma_wait3A_56 = tpu.memref_slice %arg4[%add3A_12, %dma_wait3A_55] : memref<16384x768xf32, #tpu.memory_space<hbm>> -> memref<128x768xf32, #tpu.memory_space<hbm>>
      tpu.wait_dma2 semaphore(%run_scoped3A : memref<!tpu.dma_semaphore, #tpu.memory_space<semaphore_mem>>) src(%arg6 : memref<128x768xf32, #tpu.memory_space<vmem>>) dst(%dma_wait3A_56 : memref<128x768xf32, #tpu.memory_space<hbm>>)
      tpu.yield
    }) : () -> ()
    %dma_start3A_13 = arith.constant 128 : i32
    %dma_start3A_14 = tpu.memref_slice %arg5[%dma_start3A_13] : memref<512xi32, #tpu.memory_space<vmem>> -> memref<128xi32, #tpu.memory_space<vmem>>
    %dma_start3A_15 = arith.constant 0 : i32
    %dma_start3A_16 = arith.constant 0 : i32
    %dma_start3A_17 = tpu.memref_slice %arg2[%dma_start3A_15, %dma_start3A_16] : memref<65536x768xf32, #tpu.memory_space<hbm>> -> memref<65536x768xf32, #tpu.memory_space<hbm>>
    tpu.enqueue_indirect_dma source(%dma_start3A_17 : memref<65536x768xf32, #tpu.memory_space<hbm>>) target(%arg6 : memref<128x768xf32, #tpu.memory_space<vmem>>) offsets(%dma_start3A_14 : memref<128xi32, #tpu.memory_space<vmem>>) semaphore(%arg7 : memref<!tpu.dma_semaphore, #tpu.memory_space<semaphore_mem>>)
    %dma_wait3A_18 = arith.constant 128 : i32
    %dma_wait3A_19 = tpu.memref_slice %arg5[%dma_wait3A_18] : memref<512xi32, #tpu.memory_space<vmem>> -> memref<128xi32, #tpu.memory_space<vmem>>
    %dma_wait3A_20 = arith.constant 0 : i32
    %dma_wait3A_21 = arith.constant 0 : i32
    %dma_wait3A_22 = tpu.memref_slice %arg2[%dma_wait3A_20, %dma_wait3A_21] : memref<65536x768xf32, #tpu.memory_space<hbm>> -> memref<65536x768xf32, #tpu.memory_space<hbm>>
    tpu.wait_indirect_dma semaphore(%arg7 : memref<!tpu.dma_semaphore, #tpu.memory_space<semaphore_mem>>) src(%dma_wait3A_22 : memref<65536x768xf32, #tpu.memory_space<hbm>>) dst(%arg6 : memref<128x768xf32, #tpu.memory_space<vmem>>)
    %add3A_23 = arith.constant 128 : i32
    %add3A_24 = arith.addi %mul3A_2, %add3A_23 : i32
    "tpu.region"() ({
      %run_scoped3A = tpu.sem_alloc : memref<!tpu.dma_semaphore, #tpu.memory_space<semaphore_mem>>
      %dma_start3A_49 = arith.constant 0 : i32
      %dma_start3A_50 = tpu.memref_slice %arg4[%add3A_24, %dma_start3A_49] : memref<16384x768xf32, #tpu.memory_space<hbm>> -> memref<128x768xf32, #tpu.memory_space<hbm>>
      %dma_start3A_51 = arith.constant 0 : i32
      %dma_start3A_52 = tpu.memref_slice %arg4[%add3A_24, %dma_start3A_51] : memref<16384x768xf32, #tpu.memory_space<hbm>> -> memref<128x768xf32, #tpu.memory_space<hbm>>
      tpu.enqueue_dma source(%arg6 : memref<128x768xf32, #tpu.memory_space<vmem>>) target(%dma_start3A_52 : memref<128x768xf32, #tpu.memory_space<hbm>>) target_semaphore(%run_scoped3A : memref<!tpu.dma_semaphore, #tpu.memory_space<semaphore_mem>>)
      %dma_wait3A_53 = arith.constant 0 : i32
      %dma_wait3A_54 = tpu.memref_slice %arg4[%add3A_24, %dma_wait3A_53] : memref<16384x768xf32, #tpu.memory_space<hbm>> -> memref<128x768xf32, #tpu.memory_space<hbm>>
      %dma_wait3A_55 = arith.constant 0 : i32
      %dma_wait3A_56 = tpu.memref_slice %arg4[%add3A_24, %dma_wait3A_55] : memref<16384x768xf32, #tpu.memory_space<hbm>> -> memref<128x768xf32, #tpu.memory_space<hbm>>
      tpu.wait_dma2 semaphore(%run_scoped3A : memref<!tpu.dma_semaphore, #tpu.memory_space<semaphore_mem>>) src(%arg6 : memref<128x768xf32, #tpu.memory_space<vmem>>) dst(%dma_wait3A_56 : memref<128x768xf32, #tpu.memory_space<hbm>>)
      tpu.yield
    }) : () -> ()
    %dma_start3A_25 = arith.constant 256 : i32
    %dma_start3A_26 = tpu.memref_slice %arg5[%dma_start3A_25] : memref<512xi32, #tpu.memory_space<vmem>> -> memref<128xi32, #tpu.memory_space<vmem>>
    %dma_start3A_27 = arith.constant 0 : i32
    %dma_start3A_28 = arith.constant 0 : i32
    %dma_start3A_29 = tpu.memref_slice %arg2[%dma_start3A_27, %dma_start3A_28] : memref<65536x768xf32, #tpu.memory_space<hbm>> -> memref<65536x768xf32, #tpu.memory_space<hbm>>
    tpu.enqueue_indirect_dma source(%dma_start3A_29 : memref<65536x768xf32, #tpu.memory_space<hbm>>) target(%arg6 : memref<128x768xf32, #tpu.memory_space<vmem>>) offsets(%dma_start3A_26 : memref<128xi32, #tpu.memory_space<vmem>>) semaphore(%arg7 : memref<!tpu.dma_semaphore, #tpu.memory_space<semaphore_mem>>)
    %dma_wait3A_30 = arith.constant 256 : i32
    %dma_wait3A_31 = tpu.memref_slice %arg5[%dma_wait3A_30] : memref<512xi32, #tpu.memory_space<vmem>> -> memref<128xi32, #tpu.memory_space<vmem>>
    %dma_wait3A_32 = arith.constant 0 : i32
    %dma_wait3A_33 = arith.constant 0 : i32
    %dma_wait3A_34 = tpu.memref_slice %arg2[%dma_wait3A_32, %dma_wait3A_33] : memref<65536x768xf32, #tpu.memory_space<hbm>> -> memref<65536x768xf32, #tpu.memory_space<hbm>>
    tpu.wait_indirect_dma semaphore(%arg7 : memref<!tpu.dma_semaphore, #tpu.memory_space<semaphore_mem>>) src(%dma_wait3A_34 : memref<65536x768xf32, #tpu.memory_space<hbm>>) dst(%arg6 : memref<128x768xf32, #tpu.memory_space<vmem>>)
    %add3A_35 = arith.constant 256 : i32
    %add3A_36 = arith.addi %mul3A_2, %add3A_35 : i32
    "tpu.region"() ({
      %run_scoped3A = tpu.sem_alloc : memref<!tpu.dma_semaphore, #tpu.memory_space<semaphore_mem>>
      %dma_start3A_49 = arith.constant 0 : i32
      %dma_start3A_50 = tpu.memref_slice %arg4[%add3A_36, %dma_start3A_49] : memref<16384x768xf32, #tpu.memory_space<hbm>> -> memref<128x768xf32, #tpu.memory_space<hbm>>
      %dma_start3A_51 = arith.constant 0 : i32
      %dma_start3A_52 = tpu.memref_slice %arg4[%add3A_36, %dma_start3A_51] : memref<16384x768xf32, #tpu.memory_space<hbm>> -> memref<128x768xf32, #tpu.memory_space<hbm>>
      tpu.enqueue_dma source(%arg6 : memref<128x768xf32, #tpu.memory_space<vmem>>) target(%dma_start3A_52 : memref<128x768xf32, #tpu.memory_space<hbm>>) target_semaphore(%run_scoped3A : memref<!tpu.dma_semaphore, #tpu.memory_space<semaphore_mem>>)
      %dma_wait3A_53 = arith.constant 0 : i32
      %dma_wait3A_54 = tpu.memref_slice %arg4[%add3A_36, %dma_wait3A_53] : memref<16384x768xf32, #tpu.memory_space<hbm>> -> memref<128x768xf32, #tpu.memory_space<hbm>>
      %dma_wait3A_55 = arith.constant 0 : i32
      %dma_wait3A_56 = tpu.memref_slice %arg4[%add3A_36, %dma_wait3A_55] : memref<16384x768xf32, #tpu.memory_space<hbm>> -> memref<128x768xf32, #tpu.memory_space<hbm>>
      tpu.wait_dma2 semaphore(%run_scoped3A : memref<!tpu.dma_semaphore, #tpu.memory_space<semaphore_mem>>) src(%arg6 : memref<128x768xf32, #tpu.memory_space<vmem>>) dst(%dma_wait3A_56 : memref<128x768xf32, #tpu.memory_space<hbm>>)
      tpu.yield
    }) : () -> ()
    %dma_start3A_37 = arith.constant 384 : i32
    %dma_start3A_38 = tpu.memref_slice %arg5[%dma_start3A_37] : memref<512xi32, #tpu.memory_space<vmem>> -> memref<128xi32, #tpu.memory_space<vmem>>
    %dma_start3A_39 = arith.constant 0 : i32
    %dma_start3A_40 = arith.constant 0 : i32
    %dma_start3A_41 = tpu.memref_slice %arg2[%dma_start3A_39, %dma_start3A_40] : memref<65536x768xf32, #tpu.memory_space<hbm>> -> memref<65536x768xf32, #tpu.memory_space<hbm>>
    tpu.enqueue_indirect_dma source(%dma_start3A_41 : memref<65536x768xf32, #tpu.memory_space<hbm>>) target(%arg6 : memref<128x768xf32, #tpu.memory_space<vmem>>) offsets(%dma_start3A_38 : memref<128xi32, #tpu.memory_space<vmem>>) semaphore(%arg7 : memref<!tpu.dma_semaphore, #tpu.memory_space<semaphore_mem>>)
    %dma_wait3A_42 = arith.constant 384 : i32
    %dma_wait3A_43 = tpu.memref_slice %arg5[%dma_wait3A_42] : memref<512xi32, #tpu.memory_space<vmem>> -> memref<128xi32, #tpu.memory_space<vmem>>
    %dma_wait3A_44 = arith.constant 0 : i32
    %dma_wait3A_45 = arith.constant 0 : i32
    %dma_wait3A_46 = tpu.memref_slice %arg2[%dma_wait3A_44, %dma_wait3A_45] : memref<65536x768xf32, #tpu.memory_space<hbm>> -> memref<65536x768xf32, #tpu.memory_space<hbm>>
    tpu.wait_indirect_dma semaphore(%arg7 : memref<!tpu.dma_semaphore, #tpu.memory_space<semaphore_mem>>) src(%dma_wait3A_46 : memref<65536x768xf32, #tpu.memory_space<hbm>>) dst(%arg6 : memref<128x768xf32, #tpu.memory_space<vmem>>)
    %add3A_47 = arith.constant 384 : i32
    %add3A_48 = arith.addi %mul3A_2, %add3A_47 : i32
    "tpu.region"() ({
      %run_scoped3A = tpu.sem_alloc : memref<!tpu.dma_semaphore, #tpu.memory_space<semaphore_mem>>
      %dma_start3A_49 = arith.constant 0 : i32
      %dma_start3A_50 = tpu.memref_slice %arg4[%add3A_48, %dma_start3A_49] : memref<16384x768xf32, #tpu.memory_space<hbm>> -> memref<128x768xf32, #tpu.memory_space<hbm>>
      %dma_start3A_51 = arith.constant 0 : i32
      %dma_start3A_52 = tpu.memref_slice %arg4[%add3A_48, %dma_start3A_51] : memref<16384x768xf32, #tpu.memory_space<hbm>> -> memref<128x768xf32, #tpu.memory_space<hbm>>
      tpu.enqueue_dma source(%arg6 : memref<128x768xf32, #tpu.memory_space<vmem>>) target(%dma_start3A_52 : memref<128x768xf32, #tpu.memory_space<hbm>>) target_semaphore(%run_scoped3A : memref<!tpu.dma_semaphore, #tpu.memory_space<semaphore_mem>>)
      %dma_wait3A_53 = arith.constant 0 : i32
      %dma_wait3A_54 = tpu.memref_slice %arg4[%add3A_48, %dma_wait3A_53] : memref<16384x768xf32, #tpu.memory_space<hbm>> -> memref<128x768xf32, #tpu.memory_space<hbm>>
      %dma_wait3A_55 = arith.constant 0 : i32
      %dma_wait3A_56 = tpu.memref_slice %arg4[%add3A_48, %dma_wait3A_55] : memref<16384x768xf32, #tpu.memory_space<hbm>> -> memref<128x768xf32, #tpu.memory_space<hbm>>
      tpu.wait_dma2 semaphore(%run_scoped3A : memref<!tpu.dma_semaphore, #tpu.memory_space<semaphore_mem>>) src(%arg6 : memref<128x768xf32, #tpu.memory_space<vmem>>) dst(%dma_wait3A_56 : memref<128x768xf32, #tpu.memory_space<hbm>>)
      tpu.yield
    }) : () -> ()
    return
  }
}

module attributes {stable_mosaic.version = 14 : i64} {
  func.func @_dft_body(%arg0: i32, %arg1: memref<1x512x512xf32, #tpu.memory_space<vmem>>, %arg2: memref<512x512xf32, #tpu.memory_space<vmem>>, %arg3: memref<512x512xf32, #tpu.memory_space<vmem>>, %arg4: memref<32x264xf32, #tpu.memory_space<vmem>>, %arg5: memref<32x264xf32, #tpu.memory_space<vmem>>, %arg6: memref<512x32xf32, #tpu.memory_space<vmem>>, %arg7: memref<512x32xf32, #tpu.memory_space<vmem>>, %arg8: memref<1x264x512xf32, #tpu.memory_space<vmem>>, %arg9: memref<1x32x32xf32, #tpu.memory_space<vmem>>, %arg10: memref<1x1x128xf32, #tpu.memory_space<vmem>>) attributes {dimension_semantics = [#tpu.dimension_semantics<arbitrary>], iteration_bounds = array<i64: 64>, scalar_prefetch = 0 : i64, scratch_operands = 0 : i64, tpu.core_type = #tpu.core_type<tc>, window_params = [{transform_indices = @transform_0, window_bounds = array<i64: 1, 512, 512>}, {pipeline_mode = #tpu.pipeline_mode<synchronous>, transform_indices = @transform_1, window_bounds = array<i64: 512, 512>}, {pipeline_mode = #tpu.pipeline_mode<synchronous>, transform_indices = @transform_2, window_bounds = array<i64: 512, 512>}, {pipeline_mode = #tpu.pipeline_mode<synchronous>, transform_indices = @transform_3, window_bounds = array<i64: 32, 264>}, {pipeline_mode = #tpu.pipeline_mode<synchronous>, transform_indices = @transform_4, window_bounds = array<i64: 32, 264>}, {pipeline_mode = #tpu.pipeline_mode<synchronous>, transform_indices = @transform_5, window_bounds = array<i64: 512, 32>}, {pipeline_mode = #tpu.pipeline_mode<synchronous>, transform_indices = @transform_6, window_bounds = array<i64: 512, 32>}, {transform_indices = @transform_7, window_bounds = array<i64: 1, 264, 512>}, {transform_indices = @transform_8, window_bounds = array<i64: 1, 32, 32>}, {transform_indices = @transform_9, window_bounds = array<i64: 1, 1, 128>}]} {
    %get3A = arith.constant 0 : index
    %get3A_0 = arith.constant 0 : index
    %get3A_1 = arith.constant 0 : index
    %get3A_2 = vector.load %arg1[%get3A, %get3A_0, %get3A_1] : memref<1x512x512xf32, #tpu.memory_space<vmem>>, vector<1x512x512xf32>
    %get3A_3 = vector.shape_cast %get3A_2 : vector<1x512x512xf32> to vector<512x512xf32>
    %get3A_4 = arith.constant 0 : index
    %get3A_5 = arith.constant 0 : index
    %get3A_6 = vector.load %arg2[%get3A_4, %get3A_5] : memref<512x512xf32, #tpu.memory_space<vmem>>, vector<512x512xf32>
    %get3A_7 = arith.constant 0 : index
    %get3A_8 = arith.constant 0 : index
    %get3A_9 = vector.load %arg3[%get3A_7, %get3A_8] : memref<512x512xf32, #tpu.memory_space<vmem>>, vector<512x512xf32>
    %slice3A = vector.extract_strided_slice %get3A_6 {offsets = [0, 0], sizes = [257, 512], strides = [1, 1]} : vector<512x512xf32> to vector<257x512xf32>
    %dot_general3A = arith.constant dense<0.000000e+00> : vector<257x512xf32>
    %dot_general3A_10 = tpu.matmul %slice3A, %get3A_3, %dot_general3A {dimension_numbers = #tpu.dot_dimension_numbers<[1], [0], [0], [1], [0, 0, 1, 1], [], []>, precision = #tpu.contract_precision<fp32>, transpose_lhs_hint = false} : vector<257x512xf32>, vector<512x512xf32>, vector<257x512xf32> -> vector<257x512xf32>
    %slice3A_11 = vector.extract_strided_slice %get3A_9 {offsets = [0, 0], sizes = [257, 512], strides = [1, 1]} : vector<512x512xf32> to vector<257x512xf32>
    %dot_general3A_12 = arith.constant dense<0.000000e+00> : vector<257x512xf32>
    %dot_general3A_13 = tpu.matmul %slice3A_11, %get3A_3, %dot_general3A_12 {dimension_numbers = #tpu.dot_dimension_numbers<[1], [0], [0], [1], [0, 0, 1, 1], [], []>, precision = #tpu.contract_precision<fp32>, transpose_lhs_hint = false} : vector<257x512xf32>, vector<512x512xf32>, vector<257x512xf32> -> vector<257x512xf32>
    %neg3A = arith.constant 0.000000e+00 : f32
    %neg3A_14 = vector.broadcast %neg3A : f32 to vector<257x512xf32>
    %neg3A_15 = arith.subf %neg3A_14, %dot_general3A_13 : vector<257x512xf32>
    %dot_general3A_16 = arith.constant dense<0.000000e+00> : vector<257x512xf32>
    %dot_general3A_17 = tpu.matmul %dot_general3A_10, %get3A_6, %dot_general3A_16 {dimension_numbers = #tpu.dot_dimension_numbers<[1], [0], [0], [1], [0, 0, 1, 1], [], []>, precision = #tpu.contract_precision<fp32>, transpose_lhs_hint = false} : vector<257x512xf32>, vector<512x512xf32>, vector<257x512xf32> -> vector<257x512xf32>
    %dot_general3A_18 = arith.constant dense<0.000000e+00> : vector<257x512xf32>
    %dot_general3A_19 = tpu.matmul %neg3A_15, %get3A_9, %dot_general3A_18 {dimension_numbers = #tpu.dot_dimension_numbers<[1], [0], [0], [1], [0, 0, 1, 1], [], []>, precision = #tpu.contract_precision<fp32>, transpose_lhs_hint = false} : vector<257x512xf32>, vector<512x512xf32>, vector<257x512xf32> -> vector<257x512xf32>
    %add3A = arith.addf %dot_general3A_17, %dot_general3A_19 : vector<257x512xf32>
    %dot_general3A_20 = arith.constant dense<0.000000e+00> : vector<257x512xf32>
    %dot_general3A_21 = tpu.matmul %neg3A_15, %get3A_6, %dot_general3A_20 {dimension_numbers = #tpu.dot_dimension_numbers<[1], [0], [0], [1], [0, 0, 1, 1], [], []>, precision = #tpu.contract_precision<fp32>, transpose_lhs_hint = false} : vector<257x512xf32>, vector<512x512xf32>, vector<257x512xf32> -> vector<257x512xf32>
    %dot_general3A_22 = arith.constant dense<0.000000e+00> : vector<257x512xf32>
    %dot_general3A_23 = tpu.matmul %dot_general3A_10, %get3A_9, %dot_general3A_22 {dimension_numbers = #tpu.dot_dimension_numbers<[1], [0], [0], [1], [0, 0, 1, 1], [], []>, precision = #tpu.contract_precision<fp32>, transpose_lhs_hint = false} : vector<257x512xf32>, vector<512x512xf32>, vector<257x512xf32> -> vector<257x512xf32>
    %sub3A = arith.subf %dot_general3A_21, %dot_general3A_23 : vector<257x512xf32>
    %mul3A = arith.mulf %add3A, %add3A : vector<257x512xf32>
    %mul3A_24 = arith.mulf %sub3A, %sub3A : vector<257x512xf32>
    %add3A_25 = arith.addf %mul3A, %mul3A_24 : vector<257x512xf32>
    %sqrt3A = math.sqrt %add3A_25 : vector<257x512xf32>
    %mul3A_26 = arith.constant 0.001953125 : f32
    %mul3A_27 = vector.broadcast %mul3A_26 : f32 to vector<257x512xf32>
    %mul3A_28 = arith.mulf %sqrt3A, %mul3A_27 : vector<257x512xf32>
    %broadcast_in_dim3A = arith.constant 0.000000e+00 : f32
    %broadcast_in_dim3A_29 = vector.broadcast %broadcast_in_dim3A : f32 to vector<7x512xf32>
    %concatenate3A = tpu.concatenate %mul3A_28, %broadcast_in_dim3A_29 in 0 : vector<257x512xf32>, vector<7x512xf32> -> vector<264x512xf32>
    %swap3A = arith.constant 0 : index
    %swap3A_30 = arith.constant 0 : index
    %swap3A_31 = arith.constant 0 : index
    %swap3A_32 = vector.load %arg8[%swap3A, %swap3A_30, %swap3A_31] : memref<1x264x512xf32, #tpu.memory_space<vmem>>, vector<1x264x512xf32>
    %swap3A_33 = vector.shape_cast %swap3A_32 : vector<1x264x512xf32> to vector<264x512xf32>
    %swap3A_34 = vector.shape_cast %concatenate3A : vector<264x512xf32> to vector<1x264x512xf32>
    tpu.vector_store %arg8[%swap3A, %swap3A_30, %swap3A_31], %swap3A_34 {strides = array<i32>} : memref<1x264x512xf32, #tpu.memory_space<vmem>>, vector<1x264x512xf32>,
    %get3A_35 = arith.constant 0 : index
    %get3A_36 = arith.constant 0 : index
    %get3A_37 = vector.load %arg4[%get3A_35, %get3A_36] : memref<32x264xf32, #tpu.memory_space<vmem>>, vector<32x264xf32>
    %get3A_38 = arith.constant 0 : index
    %get3A_39 = arith.constant 0 : index
    %get3A_40 = vector.load %arg6[%get3A_38, %get3A_39] : memref<512x32xf32, #tpu.memory_space<vmem>>, vector<512x32xf32>
    %dot_general3A_41 = arith.constant dense<0.000000e+00> : vector<264x32xf32>
    %dot_general3A_42 = tpu.matmul %concatenate3A, %get3A_40, %dot_general3A_41 {dimension_numbers = #tpu.dot_dimension_numbers<[1], [0], [0], [1], [0, 0, 1, 1], [], []>, precision = #tpu.contract_precision<fp32>, transpose_lhs_hint = false} : vector<264x512xf32>, vector<512x32xf32>, vector<264x32xf32> -> vector<264x32xf32>
    %dot_general3A_43 = arith.constant dense<0.000000e+00> : vector<32x32xf32>
    %dot_general3A_44 = tpu.matmul %get3A_37, %dot_general3A_42, %dot_general3A_43 {dimension_numbers = #tpu.dot_dimension_numbers<[1], [0], [0], [1], [0, 0, 1, 1], [], []>, precision = #tpu.contract_precision<fp32>, transpose_lhs_hint = false} : vector<32x264xf32>, vector<264x32xf32>, vector<32x32xf32> -> vector<32x32xf32>
    %get3A_45 = arith.constant 0 : index
    %get3A_46 = arith.constant 0 : index
    %get3A_47 = vector.load %arg5[%get3A_45, %get3A_46] : memref<32x264xf32, #tpu.memory_space<vmem>>, vector<32x264xf32>
    %get3A_48 = arith.constant 0 : index
    %get3A_49 = arith.constant 0 : index
    %get3A_50 = vector.load %arg7[%get3A_48, %get3A_49] : memref<512x32xf32, #tpu.memory_space<vmem>>, vector<512x32xf32>
    %dot_general3A_51 = arith.constant dense<0.000000e+00> : vector<264x32xf32>
    %dot_general3A_52 = tpu.matmul %concatenate3A, %get3A_50, %dot_general3A_51 {dimension_numbers = #tpu.dot_dimension_numbers<[1], [0], [0], [1], [0, 0, 1, 1], [], []>, precision = #tpu.contract_precision<fp32>, transpose_lhs_hint = false} : vector<264x512xf32>, vector<512x32xf32>, vector<264x32xf32> -> vector<264x32xf32>
    %dot_general3A_53 = arith.constant dense<0.000000e+00> : vector<32x32xf32>
    %dot_general3A_54 = tpu.matmul %get3A_47, %dot_general3A_52, %dot_general3A_53 {dimension_numbers = #tpu.dot_dimension_numbers<[1], [0], [0], [1], [0, 0, 1, 1], [], []>, precision = #tpu.contract_precision<fp32>, transpose_lhs_hint = false} : vector<32x264xf32>, vector<264x32xf32>, vector<32x32xf32> -> vector<32x32xf32>
    %add3A_55 = arith.addf %dot_general3A_44, %dot_general3A_54 : vector<32x32xf32>
    %swap3A_56 = arith.constant 0 : index
    %swap3A_57 = arith.constant 0 : index
    %swap3A_58 = arith.constant 0 : index
    %swap3A_59 = vector.load %arg9[%swap3A_56, %swap3A_57, %swap3A_58] : memref<1x32x32xf32, #tpu.memory_space<vmem>>, vector<1x32x32xf32>
    %swap3A_60 = vector.shape_cast %swap3A_59 : vector<1x32x32xf32> to vector<32x32xf32>
    %swap3A_61 = vector.shape_cast %add3A_55 : vector<32x32xf32> to vector<1x32x32xf32>
    tpu.vector_store %arg9[%swap3A_56, %swap3A_57, %swap3A_58], %swap3A_61 {strides = array<i32>} : memref<1x32x32xf32, #tpu.memory_space<vmem>>, vector<1x32x32xf32>,
    %reduce_sum3A = vector.shape_cast %concatenate3A : vector<264x512xf32> to vector<1x264x512xf32>
    %reduce_sum3A_62 = arith.constant dense<0.000000e+00> : vector<1xf32>
    %reduce_sum3A_63 = vector.multi_reduction <add>, %reduce_sum3A, %reduce_sum3A_62 [1, 2] : vector<1x264x512xf32> to vector<1xf32>
    %reduce_sum3A_64 = vector.shape_cast %reduce_sum3A_63 : vector<1xf32> to vector<1x1x1xf32>
    %reduce_sum3A_65 = vector.extract %reduce_sum3A_64[0, 0, 0] : f32 from vector<1x1x1xf32>
    %mul3A_66 = arith.constant 2.000000e+00 : f32
    %mul3A_67 = arith.mulf %mul3A_66, %reduce_sum3A_65 : f32
    %slice3A_68 = vector.extract_strided_slice %concatenate3A {offsets = [0, 0], sizes = [1, 512], strides = [1, 1]} : vector<264x512xf32> to vector<1x512xf32>
    %reduce_sum3A_69 = vector.shape_cast %slice3A_68 : vector<1x512xf32> to vector<1x1x512xf32>
    %reduce_sum3A_70 = arith.constant dense<0.000000e+00> : vector<1xf32>
    %reduce_sum3A_71 = vector.multi_reduction <add>, %reduce_sum3A_69, %reduce_sum3A_70 [1, 2] : vector<1x1x512xf32> to vector<1xf32>
    %reduce_sum3A_72 = vector.shape_cast %reduce_sum3A_71 : vector<1xf32> to vector<1x1x1xf32>
    %reduce_sum3A_73 = vector.extract %reduce_sum3A_72[0, 0, 0] : f32 from vector<1x1x1xf32>
    %sub3A_74 = arith.subf %mul3A_67, %reduce_sum3A_73 : f32
    %slice3A_75 = vector.extract_strided_slice %concatenate3A {offsets = [256, 0], sizes = [1, 512], strides = [1, 1]} : vector<264x512xf32> to vector<1x512xf32>
    %reduce_sum3A_76 = vector.shape_cast %slice3A_75 : vector<1x512xf32> to vector<1x1x512xf32>
    %reduce_sum3A_77 = arith.constant dense<0.000000e+00> : vector<1xf32>
    %reduce_sum3A_78 = vector.multi_reduction <add>, %reduce_sum3A_76, %reduce_sum3A_77 [1, 2] : vector<1x1x512xf32> to vector<1xf32>
    %reduce_sum3A_79 = vector.shape_cast %reduce_sum3A_78 : vector<1xf32> to vector<1x1x1xf32>
    %reduce_sum3A_80 = vector.extract %reduce_sum3A_79[0, 0, 0] : f32 from vector<1x1x1xf32>
    %sub3A_81 = arith.subf %sub3A_74, %reduce_sum3A_80 : f32
    %mul3A_82 = arith.mulf %concatenate3A, %concatenate3A : vector<264x512xf32>
    %reduce_sum3A_83 = vector.shape_cast %mul3A_82 : vector<264x512xf32> to vector<1x264x512xf32>
    %reduce_sum3A_84 = arith.constant dense<0.000000e+00> : vector<1xf32>
    %reduce_sum3A_85 = vector.multi_reduction <add>, %reduce_sum3A_83, %reduce_sum3A_84 [1, 2] : vector<1x264x512xf32> to vector<1xf32>
    %reduce_sum3A_86 = vector.shape_cast %reduce_sum3A_85 : vector<1xf32> to vector<1x1x1xf32>
    %reduce_sum3A_87 = vector.extract %reduce_sum3A_86[0, 0, 0] : f32 from vector<1x1x1xf32>
    %mul3A_88 = arith.constant 2.000000e+00 : f32
    %mul3A_89 = arith.mulf %mul3A_88, %reduce_sum3A_87 : f32
    %slice3A_90 = vector.extract_strided_slice %mul3A_82 {offsets = [0, 0], sizes = [1, 512], strides = [1, 1]} : vector<264x512xf32> to vector<1x512xf32>
    %reduce_sum3A_91 = vector.shape_cast %slice3A_90 : vector<1x512xf32> to vector<1x1x512xf32>
    %reduce_sum3A_92 = arith.constant dense<0.000000e+00> : vector<1xf32>
    %reduce_sum3A_93 = vector.multi_reduction <add>, %reduce_sum3A_91, %reduce_sum3A_92 [1, 2] : vector<1x1x512xf32> to vector<1xf32>
    %reduce_sum3A_94 = vector.shape_cast %reduce_sum3A_93 : vector<1xf32> to vector<1x1x1xf32>
    %reduce_sum3A_95 = vector.extract %reduce_sum3A_94[0, 0, 0] : f32 from vector<1x1x1xf32>
    %sub3A_96 = arith.subf %mul3A_89, %reduce_sum3A_95 : f32
    %slice3A_97 = vector.extract_strided_slice %mul3A_82 {offsets = [256, 0], sizes = [1, 512], strides = [1, 1]} : vector<264x512xf32> to vector<1x512xf32>
    %reduce_sum3A_98 = vector.shape_cast %slice3A_97 : vector<1x512xf32> to vector<1x1x512xf32>
    %reduce_sum3A_99 = arith.constant dense<0.000000e+00> : vector<1xf32>
    %reduce_sum3A_100 = vector.multi_reduction <add>, %reduce_sum3A_98, %reduce_sum3A_99 [1, 2] : vector<1x1x512xf32> to vector<1xf32>
    %reduce_sum3A_101 = vector.shape_cast %reduce_sum3A_100 : vector<1xf32> to vector<1x1x1xf32>
    %reduce_sum3A_102 = vector.extract %reduce_sum3A_101[0, 0, 0] : f32 from vector<1x1x1xf32>
    %sub3A_103 = arith.subf %sub3A_96, %reduce_sum3A_102 : f32
    %iota3A = tpu.iota {dimensions = array<i32: 1>} : vector<1x128xi32>
    %eq3A = arith.constant 0 : i32
    %eq3A_104 = vector.broadcast %eq3A : i32 to vector<1x128xi32>
    %eq3A_105 = arith.cmpi eq, %iota3A, %eq3A_104 : vector<1x128xi32>
    %eq3A_106 = arith.constant 1 : i32
    %eq3A_107 = vector.broadcast %eq3A_106 : i32 to vector<1x128xi32>
    %eq3A_108 = arith.cmpi eq, %iota3A, %eq3A_107 : vector<1x128xi32>
    %jit3A = arith.constant 0.000000e+00 : f32
    %broadcast_in_dim3A_109 = vector.broadcast %sub3A_103 : f32 to vector<1x128xf32>
    %broadcast_in_dim3A_110 = vector.broadcast %jit3A : f32 to vector<1x128xf32>
    %select_n3A = arith.select %eq3A_108, %broadcast_in_dim3A_109, %broadcast_in_dim3A_110 : vector<1x128xi1>, vector<1x128xf32>
    %broadcast_in_dim3A_111 = vector.broadcast %sub3A_81 : f32 to vector<1x128xf32>
    %select_n3A_112 = arith.select %eq3A_105, %broadcast_in_dim3A_111, %select_n3A : vector<1x128xi1>, vector<1x128xf32>
    %swap3A_113 = arith.constant 0 : index
    %swap3A_114 = arith.constant 0 : index
    %swap3A_115 = arith.constant 0 : index
    %swap3A_116 = vector.load %arg10[%swap3A_113, %swap3A_114, %swap3A_115] : memref<1x1x128xf32, #tpu.memory_space<vmem>>, vector<1x1x128xf32>
    %swap3A_117 = vector.shape_cast %swap3A_116 : vector<1x1x128xf32> to vector<1x128xf32>
    %swap3A_118 = vector.shape_cast %select_n3A_112 : vector<1x128xf32> to vector<1x1x128xf32>
    tpu.vector_store %arg10[%swap3A_113, %swap3A_114, %swap3A_115], %swap3A_118 {strides = array<i32>} : memref<1x1x128xf32, #tpu.memory_space<vmem>>, vector<1x1x128xf32>,
    return
  }
  func.func @transform_0(%arg0: i32) -> (i32, i32, i32) {
    %c0_i32 = arith.constant 0 : i32
    %c0_i32_0 = arith.constant 0 : i32
    %c0_i32_1 = arith.constant 0 : i32
    return %arg0, %c0_i32, %c0_i32_0 : i32, i32, i32
  }
  func.func @transform_1(%arg0: i32) -> (i32, i32) {
    %c0_i32 = arith.constant 0 : i32
    %c0_i32_0 = arith.constant 0 : i32
    %c0_i32_1 = arith.constant 0 : i32
    return %c0_i32, %c0_i32_0 : i32, i32
  }
  func.func @transform_2(%arg0: i32) -> (i32, i32) {
    %c0_i32 = arith.constant 0 : i32
    %c0_i32_0 = arith.constant 0 : i32
    %c0_i32_1 = arith.constant 0 : i32
    return %c0_i32, %c0_i32_0 : i32, i32
  }
  func.func @transform_3(%arg0: i32) -> (i32, i32) {
    %c0_i32 = arith.constant 0 : i32
    %c0_i32_0 = arith.constant 0 : i32
    %c0_i32_1 = arith.constant 0 : i32
    return %c0_i32, %c0_i32_0 : i32, i32
  }
  func.func @transform_4(%arg0: i32) -> (i32, i32) {
    %c0_i32 = arith.constant 0 : i32
    %c0_i32_0 = arith.constant 0 : i32
    %c0_i32_1 = arith.constant 0 : i32
    return %c0_i32, %c0_i32_0 : i32, i32
  }
  func.func @transform_5(%arg0: i32) -> (i32, i32) {
    %c0_i32 = arith.constant 0 : i32
    %c0_i32_0 = arith.constant 0 : i32
    %c0_i32_1 = arith.constant 0 : i32
    return %c0_i32, %c0_i32_0 : i32, i32
  }
  func.func @transform_6(%arg0: i32) -> (i32, i32) {
    %c0_i32 = arith.constant 0 : i32
    %c0_i32_0 = arith.constant 0 : i32
    %c0_i32_1 = arith.constant 0 : i32
    return %c0_i32, %c0_i32_0 : i32, i32
  }
  func.func @transform_7(%arg0: i32) -> (i32, i32, i32) {
    %c0_i32 = arith.constant 0 : i32
    %c0_i32_0 = arith.constant 0 : i32
    %c0_i32_1 = arith.constant 0 : i32
    return %arg0, %c0_i32, %c0_i32_0 : i32, i32, i32
  }
  func.func @transform_8(%arg0: i32) -> (i32, i32, i32) {
    %c0_i32 = arith.constant 0 : i32
    %c0_i32_0 = arith.constant 0 : i32
    %c0_i32_1 = arith.constant 0 : i32
    return %arg0, %c0_i32, %c0_i32_0 : i32, i32, i32
  }
  func.func @transform_9(%arg0: i32) -> (i32, i32, i32) {
    %c0_i32 = arith.constant 0 : i32
    %c0_i32_0 = arith.constant 0 : i32
    %c0_i32_1 = arith.constant 0 : i32
    return %arg0, %c0_i32, %c0_i32_0 : i32, i32, i32
  }
}

module attributes {stable_mosaic.version = 14 : i64} {
  func.func @_fw_body(%arg0: i32, %arg1: memref<1x264x512xf32, #tpu.memory_space<vmem>>, %arg2: memref<1x32x32xf32, #tpu.memory_space<vmem>>, %arg3: memref<32x264xf32, #tpu.memory_space<vmem>>, %arg4: memref<32x264xf32, #tpu.memory_space<vmem>>, %arg5: memref<512x32xf32, #tpu.memory_space<vmem>>, %arg6: memref<512x32xf32, #tpu.memory_space<vmem>>, %arg7: memref<128xf32, #tpu.memory_space<smem>>, %arg8: memref<1x32x32xf32, #tpu.memory_space<vmem>>) attributes {dimension_semantics = [#tpu.dimension_semantics<arbitrary>], iteration_bounds = array<i64: 64>, scalar_prefetch = 0 : i64, scratch_operands = 0 : i64, tpu.core_type = #tpu.core_type<tc>, window_params = [{transform_indices = @transform_0, window_bounds = array<i64: 1, 264, 512>}, {transform_indices = @transform_1, window_bounds = array<i64: 1, 32, 32>}, {pipeline_mode = #tpu.pipeline_mode<synchronous>, transform_indices = @transform_2, window_bounds = array<i64: 32, 264>}, {pipeline_mode = #tpu.pipeline_mode<synchronous>, transform_indices = @transform_3, window_bounds = array<i64: 32, 264>}, {pipeline_mode = #tpu.pipeline_mode<synchronous>, transform_indices = @transform_4, window_bounds = array<i64: 512, 32>}, {pipeline_mode = #tpu.pipeline_mode<synchronous>, transform_indices = @transform_5, window_bounds = array<i64: 512, 32>}, {transform_indices = @transform_6, window_bounds = array<i64: 128>}, {transform_indices = @transform_7, window_bounds = array<i64: 1, 32, 32>}]} {
    %get3A = arith.constant 0 : index
    %get3A_0 = arith.constant 0 : index
    %get3A_1 = arith.constant 0 : index
    %get3A_2 = vector.load %arg1[%get3A, %get3A_0, %get3A_1] : memref<1x264x512xf32, #tpu.memory_space<vmem>>, vector<1x264x512xf32>
    %get3A_3 = vector.shape_cast %get3A_2 : vector<1x264x512xf32> to vector<264x512xf32>
    %broadcast_in_dim3A = arith.constant 0.000000e+00 : f32
    %broadcast_in_dim3A_4 = vector.broadcast %broadcast_in_dim3A : f32 to vector<264x512xf32>
    %get3A_5 = arith.constant 0 : index
    %get3A_6 = memref.load %arg7[%get3A_5] : memref<128xf32, #tpu.memory_space<smem>>
    %get3A_7 = arith.constant 16 : index
    %get3A_8 = memref.load %arg7[%get3A_7] : memref<128xf32, #tpu.memory_space<smem>>
    %get3A_9 = arith.constant 32 : index
    %get3A_10 = memref.load %arg7[%get3A_9] : memref<128xf32, #tpu.memory_space<smem>>
    %get3A_11 = arith.constant 48 : index
    %get3A_12 = memref.load %arg7[%get3A_11] : memref<128xf32, #tpu.memory_space<smem>>
    %get3A_13 = arith.constant 64 : index
    %get3A_14 = memref.load %arg7[%get3A_13] : memref<128xf32, #tpu.memory_space<smem>>
    %get3A_15 = arith.constant 80 : index
    %get3A_16 = memref.load %arg7[%get3A_15] : memref<128xf32, #tpu.memory_space<smem>>
    %mul3A = vector.broadcast %get3A_6 : f32 to vector<264x512xf32>
    %mul3A_17 = arith.mulf %mul3A, %get3A_3 : vector<264x512xf32>
    %sub3A = vector.broadcast %get3A_8 : f32 to vector<264x512xf32>
    %sub3A_18 = arith.subf %mul3A_17, %sub3A : vector<264x512xf32>
    %div3A = vector.broadcast %get3A_10 : f32 to vector<264x512xf32>
    %div3A_19 = arith.divf %sub3A_18, %div3A : vector<264x512xf32>
    %mul3A_20 = vector.broadcast %get3A_12 : f32 to vector<264x512xf32>
    %mul3A_21 = arith.mulf %div3A_19, %mul3A_20 : vector<264x512xf32>
    %add3A = vector.broadcast %get3A_14 : f32 to vector<264x512xf32>
    %add3A_22 = arith.addf %mul3A_21, %add3A : vector<264x512xf32>
    %max3A = arith.constant 0.000000e+00 : f32
    %max3A_23 = vector.broadcast %max3A : f32 to vector<264x512xf32>
    %max3A_24 = arith.maximumf %add3A_22, %max3A_23 : vector<264x512xf32>
    %bitcast_convert_type3A = tpu.bitcast %max3A_24 : vector<264x512xf32> -> vector<264x512xi32>
    %add3A_25 = arith.constant 32767 : i32
    %add3A_26 = vector.broadcast %add3A_25 : i32 to vector<264x512xi32>
    %add3A_27 = arith.addi %bitcast_convert_type3A, %add3A_26 : vector<264x512xi32>
    %shift_right_logical3A = arith.constant 16 : i32
    %shift_right_logical3A_28 = vector.broadcast %shift_right_logical3A : i32 to vector<264x512xi32>
    %shift_right_logical3A_29 = arith.shrui %bitcast_convert_type3A, %shift_right_logical3A_28 : vector<264x512xi32>
    %and3A = arith.constant 1 : i32
    %and3A_30 = vector.broadcast %and3A : i32 to vector<264x512xi32>
    %and3A_31 = arith.andi %shift_right_logical3A_29, %and3A_30 : vector<264x512xi32>
    %add3A_32 = arith.addi %add3A_27, %and3A_31 : vector<264x512xi32>
    %and3A_33 = arith.constant -65536 : i32
    %and3A_34 = vector.broadcast %and3A_33 : i32 to vector<264x512xi32>
    %and3A_35 = arith.andi %add3A_32, %and3A_34 : vector<264x512xi32>
    %bitcast_convert_type3A_36 = tpu.bitcast %and3A_35 : vector<264x512xi32> -> vector<264x512xf32>
    %mul3A_37 = vector.broadcast %get3A_16 : f32 to vector<264x512xf32>
    %mul3A_38 = arith.mulf %mul3A_37, %bitcast_convert_type3A_36 : vector<264x512xf32>
    %add3A_39 = arith.addf %broadcast_in_dim3A_4, %mul3A_38 : vector<264x512xf32>
    %get3A_40 = arith.constant 1 : index
    %get3A_41 = memref.load %arg7[%get3A_40] : memref<128xf32, #tpu.memory_space<smem>>
    %get3A_42 = arith.constant 17 : index
    %get3A_43 = memref.load %arg7[%get3A_42] : memref<128xf32, #tpu.memory_space<smem>>
    %get3A_44 = arith.constant 33 : index
    %get3A_45 = memref.load %arg7[%get3A_44] : memref<128xf32, #tpu.memory_space<smem>>
    %get3A_46 = arith.constant 49 : index
    %get3A_47 = memref.load %arg7[%get3A_46] : memref<128xf32, #tpu.memory_space<smem>>
    %get3A_48 = arith.constant 65 : index
    %get3A_49 = memref.load %arg7[%get3A_48] : memref<128xf32, #tpu.memory_space<smem>>
    %get3A_50 = arith.constant 81 : index
    %get3A_51 = memref.load %arg7[%get3A_50] : memref<128xf32, #tpu.memory_space<smem>>
    %mul3A_52 = vector.broadcast %get3A_41 : f32 to vector<264x512xf32>
    %mul3A_53 = arith.mulf %mul3A_52, %get3A_3 : vector<264x512xf32>
    %sub3A_54 = vector.broadcast %get3A_43 : f32 to vector<264x512xf32>
    %sub3A_55 = arith.subf %mul3A_53, %sub3A_54 : vector<264x512xf32>
    %div3A_56 = vector.broadcast %get3A_45 : f32 to vector<264x512xf32>
    %div3A_57 = arith.divf %sub3A_55, %div3A_56 : vector<264x512xf32>
    %mul3A_58 = vector.broadcast %get3A_47 : f32 to vector<264x512xf32>
    %mul3A_59 = arith.mulf %div3A_57, %mul3A_58 : vector<264x512xf32>
    %add3A_60 = vector.broadcast %get3A_49 : f32 to vector<264x512xf32>
    %add3A_61 = arith.addf %mul3A_59, %add3A_60 : vector<264x512xf32>
    %max3A_62 = arith.constant 0.000000e+00 : f32
    %max3A_63 = vector.broadcast %max3A_62 : f32 to vector<264x512xf32>
    %max3A_64 = arith.maximumf %add3A_61, %max3A_63 : vector<264x512xf32>
    %bitcast_convert_type3A_65 = tpu.bitcast %max3A_64 : vector<264x512xf32> -> vector<264x512xi32>
    %add3A_66 = arith.constant 32767 : i32
    %add3A_67 = vector.broadcast %add3A_66 : i32 to vector<264x512xi32>
    %add3A_68 = arith.addi %bitcast_convert_type3A_65, %add3A_67 : vector<264x512xi32>
    %shift_right_logical3A_69 = arith.constant 16 : i32
    %shift_right_logical3A_70 = vector.broadcast %shift_right_logical3A_69 : i32 to vector<264x512xi32>
    %shift_right_logical3A_71 = arith.shrui %bitcast_convert_type3A_65, %shift_right_logical3A_70 : vector<264x512xi32>
    %and3A_72 = arith.constant 1 : i32
    %and3A_73 = vector.broadcast %and3A_72 : i32 to vector<264x512xi32>
    %and3A_74 = arith.andi %shift_right_logical3A_71, %and3A_73 : vector<264x512xi32>
    %add3A_75 = arith.addi %add3A_68, %and3A_74 : vector<264x512xi32>
    %and3A_76 = arith.constant -65536 : i32
    %and3A_77 = vector.broadcast %and3A_76 : i32 to vector<264x512xi32>
    %and3A_78 = arith.andi %add3A_75, %and3A_77 : vector<264x512xi32>
    %bitcast_convert_type3A_79 = tpu.bitcast %and3A_78 : vector<264x512xi32> -> vector<264x512xf32>
    %mul3A_80 = vector.broadcast %get3A_51 : f32 to vector<264x512xf32>
    %mul3A_81 = arith.mulf %mul3A_80, %bitcast_convert_type3A_79 : vector<264x512xf32>
    %add3A_82 = arith.addf %add3A_39, %mul3A_81 : vector<264x512xf32>
    %get3A_83 = arith.constant 2 : index
    %get3A_84 = memref.load %arg7[%get3A_83] : memref<128xf32, #tpu.memory_space<smem>>
    %get3A_85 = arith.constant 18 : index
    %get3A_86 = memref.load %arg7[%get3A_85] : memref<128xf32, #tpu.memory_space<smem>>
    %get3A_87 = arith.constant 34 : index
    %get3A_88 = memref.load %arg7[%get3A_87] : memref<128xf32, #tpu.memory_space<smem>>
    %get3A_89 = arith.constant 50 : index
    %get3A_90 = memref.load %arg7[%get3A_89] : memref<128xf32, #tpu.memory_space<smem>>
    %get3A_91 = arith.constant 66 : index
    %get3A_92 = memref.load %arg7[%get3A_91] : memref<128xf32, #tpu.memory_space<smem>>
    %get3A_93 = arith.constant 82 : index
    %get3A_94 = memref.load %arg7[%get3A_93] : memref<128xf32, #tpu.memory_space<smem>>
    %mul3A_95 = vector.broadcast %get3A_84 : f32 to vector<264x512xf32>
    %mul3A_96 = arith.mulf %mul3A_95, %get3A_3 : vector<264x512xf32>
    %sub3A_97 = vector.broadcast %get3A_86 : f32 to vector<264x512xf32>
    %sub3A_98 = arith.subf %mul3A_96, %sub3A_97 : vector<264x512xf32>
    %div3A_99 = vector.broadcast %get3A_88 : f32 to vector<264x512xf32>
    %div3A_100 = arith.divf %sub3A_98, %div3A_99 : vector<264x512xf32>
    %mul3A_101 = vector.broadcast %get3A_90 : f32 to vector<264x512xf32>
    %mul3A_102 = arith.mulf %div3A_100, %mul3A_101 : vector<264x512xf32>
    %add3A_103 = vector.broadcast %get3A_92 : f32 to vector<264x512xf32>
    %add3A_104 = arith.addf %mul3A_102, %add3A_103 : vector<264x512xf32>
    %max3A_105 = arith.constant 0.000000e+00 : f32
    %max3A_106 = vector.broadcast %max3A_105 : f32 to vector<264x512xf32>
    %max3A_107 = arith.maximumf %add3A_104, %max3A_106 : vector<264x512xf32>
    %bitcast_convert_type3A_108 = tpu.bitcast %max3A_107 : vector<264x512xf32> -> vector<264x512xi32>
    %add3A_109 = arith.constant 32767 : i32
    %add3A_110 = vector.broadcast %add3A_109 : i32 to vector<264x512xi32>
    %add3A_111 = arith.addi %bitcast_convert_type3A_108, %add3A_110 : vector<264x512xi32>
    %shift_right_logical3A_112 = arith.constant 16 : i32
    %shift_right_logical3A_113 = vector.broadcast %shift_right_logical3A_112 : i32 to vector<264x512xi32>
    %shift_right_logical3A_114 = arith.shrui %bitcast_convert_type3A_108, %shift_right_logical3A_113 : vector<264x512xi32>
    %and3A_115 = arith.constant 1 : i32
    %and3A_116 = vector.broadcast %and3A_115 : i32 to vector<264x512xi32>
    %and3A_117 = arith.andi %shift_right_logical3A_114, %and3A_116 : vector<264x512xi32>
    %add3A_118 = arith.addi %add3A_111, %and3A_117 : vector<264x512xi32>
    %and3A_119 = arith.constant -65536 : i32
    %and3A_120 = vector.broadcast %and3A_119 : i32 to vector<264x512xi32>
    %and3A_121 = arith.andi %add3A_118, %and3A_120 : vector<264x512xi32>
    %bitcast_convert_type3A_122 = tpu.bitcast %and3A_121 : vector<264x512xi32> -> vector<264x512xf32>
    %mul3A_123 = vector.broadcast %get3A_94 : f32 to vector<264x512xf32>
    %mul3A_124 = arith.mulf %mul3A_123, %bitcast_convert_type3A_122 : vector<264x512xf32>
    %add3A_125 = arith.addf %add3A_82, %mul3A_124 : vector<264x512xf32>
    %get3A_126 = arith.constant 3 : index
    %get3A_127 = memref.load %arg7[%get3A_126] : memref<128xf32, #tpu.memory_space<smem>>
    %get3A_128 = arith.constant 19 : index
    %get3A_129 = memref.load %arg7[%get3A_128] : memref<128xf32, #tpu.memory_space<smem>>
    %get3A_130 = arith.constant 35 : index
    %get3A_131 = memref.load %arg7[%get3A_130] : memref<128xf32, #tpu.memory_space<smem>>
    %get3A_132 = arith.constant 51 : index
    %get3A_133 = memref.load %arg7[%get3A_132] : memref<128xf32, #tpu.memory_space<smem>>
    %get3A_134 = arith.constant 67 : index
    %get3A_135 = memref.load %arg7[%get3A_134] : memref<128xf32, #tpu.memory_space<smem>>
    %get3A_136 = arith.constant 83 : index
    %get3A_137 = memref.load %arg7[%get3A_136] : memref<128xf32, #tpu.memory_space<smem>>
    %mul3A_138 = vector.broadcast %get3A_127 : f32 to vector<264x512xf32>
    %mul3A_139 = arith.mulf %mul3A_138, %get3A_3 : vector<264x512xf32>
    %sub3A_140 = vector.broadcast %get3A_129 : f32 to vector<264x512xf32>
    %sub3A_141 = arith.subf %mul3A_139, %sub3A_140 : vector<264x512xf32>
    %div3A_142 = vector.broadcast %get3A_131 : f32 to vector<264x512xf32>
    %div3A_143 = arith.divf %sub3A_141, %div3A_142 : vector<264x512xf32>
    %mul3A_144 = vector.broadcast %get3A_133 : f32 to vector<264x512xf32>
    %mul3A_145 = arith.mulf %div3A_143, %mul3A_144 : vector<264x512xf32>
    %add3A_146 = vector.broadcast %get3A_135 : f32 to vector<264x512xf32>
    %add3A_147 = arith.addf %mul3A_145, %add3A_146 : vector<264x512xf32>
    %max3A_148 = arith.constant 0.000000e+00 : f32
    %max3A_149 = vector.broadcast %max3A_148 : f32 to vector<264x512xf32>
    %max3A_150 = arith.maximumf %add3A_147, %max3A_149 : vector<264x512xf32>
    %bitcast_convert_type3A_151 = tpu.bitcast %max3A_150 : vector<264x512xf32> -> vector<264x512xi32>
    %add3A_152 = arith.constant 32767 : i32
    %add3A_153 = vector.broadcast %add3A_152 : i32 to vector<264x512xi32>
    %add3A_154 = arith.addi %bitcast_convert_type3A_151, %add3A_153 : vector<264x512xi32>
    %shift_right_logical3A_155 = arith.constant 16 : i32
    %shift_right_logical3A_156 = vector.broadcast %shift_right_logical3A_155 : i32 to vector<264x512xi32>
    %shift_right_logical3A_157 = arith.shrui %bitcast_convert_type3A_151, %shift_right_logical3A_156 : vector<264x512xi32>
    %and3A_158 = arith.constant 1 : i32
    %and3A_159 = vector.broadcast %and3A_158 : i32 to vector<264x512xi32>
    %and3A_160 = arith.andi %shift_right_logical3A_157, %and3A_159 : vector<264x512xi32>
    %add3A_161 = arith.addi %add3A_154, %and3A_160 : vector<264x512xi32>
    %and3A_162 = arith.constant -65536 : i32
    %and3A_163 = vector.broadcast %and3A_162 : i32 to vector<264x512xi32>
    %and3A_164 = arith.andi %add3A_161, %and3A_163 : vector<264x512xi32>
    %bitcast_convert_type3A_165 = tpu.bitcast %and3A_164 : vector<264x512xi32> -> vector<264x512xf32>
    %mul3A_166 = vector.broadcast %get3A_137 : f32 to vector<264x512xf32>
    %mul3A_167 = arith.mulf %mul3A_166, %bitcast_convert_type3A_165 : vector<264x512xf32>
    %add3A_168 = arith.addf %add3A_125, %mul3A_167 : vector<264x512xf32>
    %get3A_169 = arith.constant 4 : index
    %get3A_170 = memref.load %arg7[%get3A_169] : memref<128xf32, #tpu.memory_space<smem>>
    %get3A_171 = arith.constant 20 : index
    %get3A_172 = memref.load %arg7[%get3A_171] : memref<128xf32, #tpu.memory_space<smem>>
    %get3A_173 = arith.constant 36 : index
    %get3A_174 = memref.load %arg7[%get3A_173] : memref<128xf32, #tpu.memory_space<smem>>
    %get3A_175 = arith.constant 52 : index
    %get3A_176 = memref.load %arg7[%get3A_175] : memref<128xf32, #tpu.memory_space<smem>>
    %get3A_177 = arith.constant 68 : index
    %get3A_178 = memref.load %arg7[%get3A_177] : memref<128xf32, #tpu.memory_space<smem>>
    %get3A_179 = arith.constant 84 : index
    %get3A_180 = memref.load %arg7[%get3A_179] : memref<128xf32, #tpu.memory_space<smem>>
    %mul3A_181 = vector.broadcast %get3A_170 : f32 to vector<264x512xf32>
    %mul3A_182 = arith.mulf %mul3A_181, %get3A_3 : vector<264x512xf32>
    %sub3A_183 = vector.broadcast %get3A_172 : f32 to vector<264x512xf32>
    %sub3A_184 = arith.subf %mul3A_182, %sub3A_183 : vector<264x512xf32>
    %div3A_185 = vector.broadcast %get3A_174 : f32 to vector<264x512xf32>
    %div3A_186 = arith.divf %sub3A_184, %div3A_185 : vector<264x512xf32>
    %mul3A_187 = vector.broadcast %get3A_176 : f32 to vector<264x512xf32>
    %mul3A_188 = arith.mulf %div3A_186, %mul3A_187 : vector<264x512xf32>
    %add3A_189 = vector.broadcast %get3A_178 : f32 to vector<264x512xf32>
    %add3A_190 = arith.addf %mul3A_188, %add3A_189 : vector<264x512xf32>
    %max3A_191 = arith.constant 0.000000e+00 : f32
    %max3A_192 = vector.broadcast %max3A_191 : f32 to vector<264x512xf32>
    %max3A_193 = arith.maximumf %add3A_190, %max3A_192 : vector<264x512xf32>
    %bitcast_convert_type3A_194 = tpu.bitcast %max3A_193 : vector<264x512xf32> -> vector<264x512xi32>
    %add3A_195 = arith.constant 32767 : i32
    %add3A_196 = vector.broadcast %add3A_195 : i32 to vector<264x512xi32>
    %add3A_197 = arith.addi %bitcast_convert_type3A_194, %add3A_196 : vector<264x512xi32>
    %shift_right_logical3A_198 = arith.constant 16 : i32
    %shift_right_logical3A_199 = vector.broadcast %shift_right_logical3A_198 : i32 to vector<264x512xi32>
    %shift_right_logical3A_200 = arith.shrui %bitcast_convert_type3A_194, %shift_right_logical3A_199 : vector<264x512xi32>
    %and3A_201 = arith.constant 1 : i32
    %and3A_202 = vector.broadcast %and3A_201 : i32 to vector<264x512xi32>
    %and3A_203 = arith.andi %shift_right_logical3A_200, %and3A_202 : vector<264x512xi32>
    %add3A_204 = arith.addi %add3A_197, %and3A_203 : vector<264x512xi32>
    %and3A_205 = arith.constant -65536 : i32
    %and3A_206 = vector.broadcast %and3A_205 : i32 to vector<264x512xi32>
    %and3A_207 = arith.andi %add3A_204, %and3A_206 : vector<264x512xi32>
    %bitcast_convert_type3A_208 = tpu.bitcast %and3A_207 : vector<264x512xi32> -> vector<264x512xf32>
    %mul3A_209 = vector.broadcast %get3A_180 : f32 to vector<264x512xf32>
    %mul3A_210 = arith.mulf %mul3A_209, %bitcast_convert_type3A_208 : vector<264x512xf32>
    %add3A_211 = arith.addf %add3A_168, %mul3A_210 : vector<264x512xf32>
    %get3A_212 = arith.constant 5 : index
    %get3A_213 = memref.load %arg7[%get3A_212] : memref<128xf32, #tpu.memory_space<smem>>
    %get3A_214 = arith.constant 21 : index
    %get3A_215 = memref.load %arg7[%get3A_214] : memref<128xf32, #tpu.memory_space<smem>>
    %get3A_216 = arith.constant 37 : index
    %get3A_217 = memref.load %arg7[%get3A_216] : memref<128xf32, #tpu.memory_space<smem>>
    %get3A_218 = arith.constant 53 : index
    %get3A_219 = memref.load %arg7[%get3A_218] : memref<128xf32, #tpu.memory_space<smem>>
    %get3A_220 = arith.constant 69 : index
    %get3A_221 = memref.load %arg7[%get3A_220] : memref<128xf32, #tpu.memory_space<smem>>
    %get3A_222 = arith.constant 85 : index
    %get3A_223 = memref.load %arg7[%get3A_222] : memref<128xf32, #tpu.memory_space<smem>>
    %mul3A_224 = vector.broadcast %get3A_213 : f32 to vector<264x512xf32>
    %mul3A_225 = arith.mulf %mul3A_224, %get3A_3 : vector<264x512xf32>
    %sub3A_226 = vector.broadcast %get3A_215 : f32 to vector<264x512xf32>
    %sub3A_227 = arith.subf %mul3A_225, %sub3A_226 : vector<264x512xf32>
    %div3A_228 = vector.broadcast %get3A_217 : f32 to vector<264x512xf32>
    %div3A_229 = arith.divf %sub3A_227, %div3A_228 : vector<264x512xf32>
    %mul3A_230 = vector.broadcast %get3A_219 : f32 to vector<264x512xf32>
    %mul3A_231 = arith.mulf %div3A_229, %mul3A_230 : vector<264x512xf32>
    %add3A_232 = vector.broadcast %get3A_221 : f32 to vector<264x512xf32>
    %add3A_233 = arith.addf %mul3A_231, %add3A_232 : vector<264x512xf32>
    %max3A_234 = arith.constant 0.000000e+00 : f32
    %max3A_235 = vector.broadcast %max3A_234 : f32 to vector<264x512xf32>
    %max3A_236 = arith.maximumf %add3A_233, %max3A_235 : vector<264x512xf32>
    %bitcast_convert_type3A_237 = tpu.bitcast %max3A_236 : vector<264x512xf32> -> vector<264x512xi32>
    %add3A_238 = arith.constant 32767 : i32
    %add3A_239 = vector.broadcast %add3A_238 : i32 to vector<264x512xi32>
    %add3A_240 = arith.addi %bitcast_convert_type3A_237, %add3A_239 : vector<264x512xi32>
    %shift_right_logical3A_241 = arith.constant 16 : i32
    %shift_right_logical3A_242 = vector.broadcast %shift_right_logical3A_241 : i32 to vector<264x512xi32>
    %shift_right_logical3A_243 = arith.shrui %bitcast_convert_type3A_237, %shift_right_logical3A_242 : vector<264x512xi32>
    %and3A_244 = arith.constant 1 : i32
    %and3A_245 = vector.broadcast %and3A_244 : i32 to vector<264x512xi32>
    %and3A_246 = arith.andi %shift_right_logical3A_243, %and3A_245 : vector<264x512xi32>
    %add3A_247 = arith.addi %add3A_240, %and3A_246 : vector<264x512xi32>
    %and3A_248 = arith.constant -65536 : i32
    %and3A_249 = vector.broadcast %and3A_248 : i32 to vector<264x512xi32>
    %and3A_250 = arith.andi %add3A_247, %and3A_249 : vector<264x512xi32>
    %bitcast_convert_type3A_251 = tpu.bitcast %and3A_250 : vector<264x512xi32> -> vector<264x512xf32>
    %mul3A_252 = vector.broadcast %get3A_223 : f32 to vector<264x512xf32>
    %mul3A_253 = arith.mulf %mul3A_252, %bitcast_convert_type3A_251 : vector<264x512xf32>
    %add3A_254 = arith.addf %add3A_211, %mul3A_253 : vector<264x512xf32>
    %get3A_255 = arith.constant 6 : index
    %get3A_256 = memref.load %arg7[%get3A_255] : memref<128xf32, #tpu.memory_space<smem>>
    %get3A_257 = arith.constant 22 : index
    %get3A_258 = memref.load %arg7[%get3A_257] : memref<128xf32, #tpu.memory_space<smem>>
    %get3A_259 = arith.constant 38 : index
    %get3A_260 = memref.load %arg7[%get3A_259] : memref<128xf32, #tpu.memory_space<smem>>
    %get3A_261 = arith.constant 54 : index
    %get3A_262 = memref.load %arg7[%get3A_261] : memref<128xf32, #tpu.memory_space<smem>>
    %get3A_263 = arith.constant 70 : index
    %get3A_264 = memref.load %arg7[%get3A_263] : memref<128xf32, #tpu.memory_space<smem>>
    %get3A_265 = arith.constant 86 : index
    %get3A_266 = memref.load %arg7[%get3A_265] : memref<128xf32, #tpu.memory_space<smem>>
    %mul3A_267 = vector.broadcast %get3A_256 : f32 to vector<264x512xf32>
    %mul3A_268 = arith.mulf %mul3A_267, %get3A_3 : vector<264x512xf32>
    %sub3A_269 = vector.broadcast %get3A_258 : f32 to vector<264x512xf32>
    %sub3A_270 = arith.subf %mul3A_268, %sub3A_269 : vector<264x512xf32>
    %div3A_271 = vector.broadcast %get3A_260 : f32 to vector<264x512xf32>
    %div3A_272 = arith.divf %sub3A_270, %div3A_271 : vector<264x512xf32>
    %mul3A_273 = vector.broadcast %get3A_262 : f32 to vector<264x512xf32>
    %mul3A_274 = arith.mulf %div3A_272, %mul3A_273 : vector<264x512xf32>
    %add3A_275 = vector.broadcast %get3A_264 : f32 to vector<264x512xf32>
    %add3A_276 = arith.addf %mul3A_274, %add3A_275 : vector<264x512xf32>
    %max3A_277 = arith.constant 0.000000e+00 : f32
    %max3A_278 = vector.broadcast %max3A_277 : f32 to vector<264x512xf32>
    %max3A_279 = arith.maximumf %add3A_276, %max3A_278 : vector<264x512xf32>
    %bitcast_convert_type3A_280 = tpu.bitcast %max3A_279 : vector<264x512xf32> -> vector<264x512xi32>
    %add3A_281 = arith.constant 32767 : i32
    %add3A_282 = vector.broadcast %add3A_281 : i32 to vector<264x512xi32>
    %add3A_283 = arith.addi %bitcast_convert_type3A_280, %add3A_282 : vector<264x512xi32>
    %shift_right_logical3A_284 = arith.constant 16 : i32
    %shift_right_logical3A_285 = vector.broadcast %shift_right_logical3A_284 : i32 to vector<264x512xi32>
    %shift_right_logical3A_286 = arith.shrui %bitcast_convert_type3A_280, %shift_right_logical3A_285 : vector<264x512xi32>
    %and3A_287 = arith.constant 1 : i32
    %and3A_288 = vector.broadcast %and3A_287 : i32 to vector<264x512xi32>
    %and3A_289 = arith.andi %shift_right_logical3A_286, %and3A_288 : vector<264x512xi32>
    %add3A_290 = arith.addi %add3A_283, %and3A_289 : vector<264x512xi32>
    %and3A_291 = arith.constant -65536 : i32
    %and3A_292 = vector.broadcast %and3A_291 : i32 to vector<264x512xi32>
    %and3A_293 = arith.andi %add3A_290, %and3A_292 : vector<264x512xi32>
    %bitcast_convert_type3A_294 = tpu.bitcast %and3A_293 : vector<264x512xi32> -> vector<264x512xf32>
    %mul3A_295 = vector.broadcast %get3A_266 : f32 to vector<264x512xf32>
    %mul3A_296 = arith.mulf %mul3A_295, %bitcast_convert_type3A_294 : vector<264x512xf32>
    %add3A_297 = arith.addf %add3A_254, %mul3A_296 : vector<264x512xf32>
    %get3A_298 = arith.constant 7 : index
    %get3A_299 = memref.load %arg7[%get3A_298] : memref<128xf32, #tpu.memory_space<smem>>
    %get3A_300 = arith.constant 23 : index
    %get3A_301 = memref.load %arg7[%get3A_300] : memref<128xf32, #tpu.memory_space<smem>>
    %get3A_302 = arith.constant 39 : index
    %get3A_303 = memref.load %arg7[%get3A_302] : memref<128xf32, #tpu.memory_space<smem>>
    %get3A_304 = arith.constant 55 : index
    %get3A_305 = memref.load %arg7[%get3A_304] : memref<128xf32, #tpu.memory_space<smem>>
    %get3A_306 = arith.constant 71 : index
    %get3A_307 = memref.load %arg7[%get3A_306] : memref<128xf32, #tpu.memory_space<smem>>
    %get3A_308 = arith.constant 87 : index
    %get3A_309 = memref.load %arg7[%get3A_308] : memref<128xf32, #tpu.memory_space<smem>>
    %mul3A_310 = vector.broadcast %get3A_299 : f32 to vector<264x512xf32>
    %mul3A_311 = arith.mulf %mul3A_310, %get3A_3 : vector<264x512xf32>
    %sub3A_312 = vector.broadcast %get3A_301 : f32 to vector<264x512xf32>
    %sub3A_313 = arith.subf %mul3A_311, %sub3A_312 : vector<264x512xf32>
    %div3A_314 = vector.broadcast %get3A_303 : f32 to vector<264x512xf32>
    %div3A_315 = arith.divf %sub3A_313, %div3A_314 : vector<264x512xf32>
    %mul3A_316 = vector.broadcast %get3A_305 : f32 to vector<264x512xf32>
    %mul3A_317 = arith.mulf %div3A_315, %mul3A_316 : vector<264x512xf32>
    %add3A_318 = vector.broadcast %get3A_307 : f32 to vector<264x512xf32>
    %add3A_319 = arith.addf %mul3A_317, %add3A_318 : vector<264x512xf32>
    %max3A_320 = arith.constant 0.000000e+00 : f32
    %max3A_321 = vector.broadcast %max3A_320 : f32 to vector<264x512xf32>
    %max3A_322 = arith.maximumf %add3A_319, %max3A_321 : vector<264x512xf32>
    %bitcast_convert_type3A_323 = tpu.bitcast %max3A_322 : vector<264x512xf32> -> vector<264x512xi32>
    %add3A_324 = arith.constant 32767 : i32
    %add3A_325 = vector.broadcast %add3A_324 : i32 to vector<264x512xi32>
    %add3A_326 = arith.addi %bitcast_convert_type3A_323, %add3A_325 : vector<264x512xi32>
    %shift_right_logical3A_327 = arith.constant 16 : i32
    %shift_right_logical3A_328 = vector.broadcast %shift_right_logical3A_327 : i32 to vector<264x512xi32>
    %shift_right_logical3A_329 = arith.shrui %bitcast_convert_type3A_323, %shift_right_logical3A_328 : vector<264x512xi32>
    %and3A_330 = arith.constant 1 : i32
    %and3A_331 = vector.broadcast %and3A_330 : i32 to vector<264x512xi32>
    %and3A_332 = arith.andi %shift_right_logical3A_329, %and3A_331 : vector<264x512xi32>
    %add3A_333 = arith.addi %add3A_326, %and3A_332 : vector<264x512xi32>
    %and3A_334 = arith.constant -65536 : i32
    %and3A_335 = vector.broadcast %and3A_334 : i32 to vector<264x512xi32>
    %and3A_336 = arith.andi %add3A_333, %and3A_335 : vector<264x512xi32>
    %bitcast_convert_type3A_337 = tpu.bitcast %and3A_336 : vector<264x512xi32> -> vector<264x512xf32>
    %mul3A_338 = vector.broadcast %get3A_309 : f32 to vector<264x512xf32>
    %mul3A_339 = arith.mulf %mul3A_338, %bitcast_convert_type3A_337 : vector<264x512xf32>
    %add3A_340 = arith.addf %add3A_297, %mul3A_339 : vector<264x512xf32>
    %get3A_341 = arith.constant 8 : index
    %get3A_342 = memref.load %arg7[%get3A_341] : memref<128xf32, #tpu.memory_space<smem>>
    %get3A_343 = arith.constant 24 : index
    %get3A_344 = memref.load %arg7[%get3A_343] : memref<128xf32, #tpu.memory_space<smem>>
    %get3A_345 = arith.constant 40 : index
    %get3A_346 = memref.load %arg7[%get3A_345] : memref<128xf32, #tpu.memory_space<smem>>
    %get3A_347 = arith.constant 56 : index
    %get3A_348 = memref.load %arg7[%get3A_347] : memref<128xf32, #tpu.memory_space<smem>>
    %get3A_349 = arith.constant 72 : index
    %get3A_350 = memref.load %arg7[%get3A_349] : memref<128xf32, #tpu.memory_space<smem>>
    %get3A_351 = arith.constant 88 : index
    %get3A_352 = memref.load %arg7[%get3A_351] : memref<128xf32, #tpu.memory_space<smem>>
    %mul3A_353 = vector.broadcast %get3A_342 : f32 to vector<264x512xf32>
    %mul3A_354 = arith.mulf %mul3A_353, %get3A_3 : vector<264x512xf32>
    %sub3A_355 = vector.broadcast %get3A_344 : f32 to vector<264x512xf32>
    %sub3A_356 = arith.subf %mul3A_354, %sub3A_355 : vector<264x512xf32>
    %div3A_357 = vector.broadcast %get3A_346 : f32 to vector<264x512xf32>
    %div3A_358 = arith.divf %sub3A_356, %div3A_357 : vector<264x512xf32>
    %mul3A_359 = vector.broadcast %get3A_348 : f32 to vector<264x512xf32>
    %mul3A_360 = arith.mulf %div3A_358, %mul3A_359 : vector<264x512xf32>
    %add3A_361 = vector.broadcast %get3A_350 : f32 to vector<264x512xf32>
    %add3A_362 = arith.addf %mul3A_360, %add3A_361 : vector<264x512xf32>
    %max3A_363 = arith.constant 0.000000e+00 : f32
    %max3A_364 = vector.broadcast %max3A_363 : f32 to vector<264x512xf32>
    %max3A_365 = arith.maximumf %add3A_362, %max3A_364 : vector<264x512xf32>
    %bitcast_convert_type3A_366 = tpu.bitcast %max3A_365 : vector<264x512xf32> -> vector<264x512xi32>
    %add3A_367 = arith.constant 32767 : i32
    %add3A_368 = vector.broadcast %add3A_367 : i32 to vector<264x512xi32>
    %add3A_369 = arith.addi %bitcast_convert_type3A_366, %add3A_368 : vector<264x512xi32>
    %shift_right_logical3A_370 = arith.constant 16 : i32
    %shift_right_logical3A_371 = vector.broadcast %shift_right_logical3A_370 : i32 to vector<264x512xi32>
    %shift_right_logical3A_372 = arith.shrui %bitcast_convert_type3A_366, %shift_right_logical3A_371 : vector<264x512xi32>
    %and3A_373 = arith.constant 1 : i32
    %and3A_374 = vector.broadcast %and3A_373 : i32 to vector<264x512xi32>
    %and3A_375 = arith.andi %shift_right_logical3A_372, %and3A_374 : vector<264x512xi32>
    %add3A_376 = arith.addi %add3A_369, %and3A_375 : vector<264x512xi32>
    %and3A_377 = arith.constant -65536 : i32
    %and3A_378 = vector.broadcast %and3A_377 : i32 to vector<264x512xi32>
    %and3A_379 = arith.andi %add3A_376, %and3A_378 : vector<264x512xi32>
    %bitcast_convert_type3A_380 = tpu.bitcast %and3A_379 : vector<264x512xi32> -> vector<264x512xf32>
    %mul3A_381 = vector.broadcast %get3A_352 : f32 to vector<264x512xf32>
    %mul3A_382 = arith.mulf %mul3A_381, %bitcast_convert_type3A_380 : vector<264x512xf32>
    %add3A_383 = arith.addf %add3A_340, %mul3A_382 : vector<264x512xf32>
    %get3A_384 = arith.constant 9 : index
    %get3A_385 = memref.load %arg7[%get3A_384] : memref<128xf32, #tpu.memory_space<smem>>
    %get3A_386 = arith.constant 25 : index
    %get3A_387 = memref.load %arg7[%get3A_386] : memref<128xf32, #tpu.memory_space<smem>>
    %get3A_388 = arith.constant 41 : index
    %get3A_389 = memref.load %arg7[%get3A_388] : memref<128xf32, #tpu.memory_space<smem>>
    %get3A_390 = arith.constant 57 : index
    %get3A_391 = memref.load %arg7[%get3A_390] : memref<128xf32, #tpu.memory_space<smem>>
    %get3A_392 = arith.constant 73 : index
    %get3A_393 = memref.load %arg7[%get3A_392] : memref<128xf32, #tpu.memory_space<smem>>
    %get3A_394 = arith.constant 89 : index
    %get3A_395 = memref.load %arg7[%get3A_394] : memref<128xf32, #tpu.memory_space<smem>>
    %mul3A_396 = vector.broadcast %get3A_385 : f32 to vector<264x512xf32>
    %mul3A_397 = arith.mulf %mul3A_396, %get3A_3 : vector<264x512xf32>
    %sub3A_398 = vector.broadcast %get3A_387 : f32 to vector<264x512xf32>
    %sub3A_399 = arith.subf %mul3A_397, %sub3A_398 : vector<264x512xf32>
    %div3A_400 = vector.broadcast %get3A_389 : f32 to vector<264x512xf32>
    %div3A_401 = arith.divf %sub3A_399, %div3A_400 : vector<264x512xf32>
    %mul3A_402 = vector.broadcast %get3A_391 : f32 to vector<264x512xf32>
    %mul3A_403 = arith.mulf %div3A_401, %mul3A_402 : vector<264x512xf32>
    %add3A_404 = vector.broadcast %get3A_393 : f32 to vector<264x512xf32>
    %add3A_405 = arith.addf %mul3A_403, %add3A_404 : vector<264x512xf32>
    %max3A_406 = arith.constant 0.000000e+00 : f32
    %max3A_407 = vector.broadcast %max3A_406 : f32 to vector<264x512xf32>
    %max3A_408 = arith.maximumf %add3A_405, %max3A_407 : vector<264x512xf32>
    %bitcast_convert_type3A_409 = tpu.bitcast %max3A_408 : vector<264x512xf32> -> vector<264x512xi32>
    %add3A_410 = arith.constant 32767 : i32
    %add3A_411 = vector.broadcast %add3A_410 : i32 to vector<264x512xi32>
    %add3A_412 = arith.addi %bitcast_convert_type3A_409, %add3A_411 : vector<264x512xi32>
    %shift_right_logical3A_413 = arith.constant 16 : i32
    %shift_right_logical3A_414 = vector.broadcast %shift_right_logical3A_413 : i32 to vector<264x512xi32>
    %shift_right_logical3A_415 = arith.shrui %bitcast_convert_type3A_409, %shift_right_logical3A_414 : vector<264x512xi32>
    %and3A_416 = arith.constant 1 : i32
    %and3A_417 = vector.broadcast %and3A_416 : i32 to vector<264x512xi32>
    %and3A_418 = arith.andi %shift_right_logical3A_415, %and3A_417 : vector<264x512xi32>
    %add3A_419 = arith.addi %add3A_412, %and3A_418 : vector<264x512xi32>
    %and3A_420 = arith.constant -65536 : i32
    %and3A_421 = vector.broadcast %and3A_420 : i32 to vector<264x512xi32>
    %and3A_422 = arith.andi %add3A_419, %and3A_421 : vector<264x512xi32>
    %bitcast_convert_type3A_423 = tpu.bitcast %and3A_422 : vector<264x512xi32> -> vector<264x512xf32>
    %mul3A_424 = vector.broadcast %get3A_395 : f32 to vector<264x512xf32>
    %mul3A_425 = arith.mulf %mul3A_424, %bitcast_convert_type3A_423 : vector<264x512xf32>
    %add3A_426 = arith.addf %add3A_383, %mul3A_425 : vector<264x512xf32>
    %get3A_427 = arith.constant 10 : index
    %get3A_428 = memref.load %arg7[%get3A_427] : memref<128xf32, #tpu.memory_space<smem>>
    %get3A_429 = arith.constant 26 : index
    %get3A_430 = memref.load %arg7[%get3A_429] : memref<128xf32, #tpu.memory_space<smem>>
    %get3A_431 = arith.constant 42 : index
    %get3A_432 = memref.load %arg7[%get3A_431] : memref<128xf32, #tpu.memory_space<smem>>
    %get3A_433 = arith.constant 58 : index
    %get3A_434 = memref.load %arg7[%get3A_433] : memref<128xf32, #tpu.memory_space<smem>>
    %get3A_435 = arith.constant 74 : index
    %get3A_436 = memref.load %arg7[%get3A_435] : memref<128xf32, #tpu.memory_space<smem>>
    %get3A_437 = arith.constant 90 : index
    %get3A_438 = memref.load %arg7[%get3A_437] : memref<128xf32, #tpu.memory_space<smem>>
    %mul3A_439 = vector.broadcast %get3A_428 : f32 to vector<264x512xf32>
    %mul3A_440 = arith.mulf %mul3A_439, %get3A_3 : vector<264x512xf32>
    %sub3A_441 = vector.broadcast %get3A_430 : f32 to vector<264x512xf32>
    %sub3A_442 = arith.subf %mul3A_440, %sub3A_441 : vector<264x512xf32>
    %div3A_443 = vector.broadcast %get3A_432 : f32 to vector<264x512xf32>
    %div3A_444 = arith.divf %sub3A_442, %div3A_443 : vector<264x512xf32>
    %mul3A_445 = vector.broadcast %get3A_434 : f32 to vector<264x512xf32>
    %mul3A_446 = arith.mulf %div3A_444, %mul3A_445 : vector<264x512xf32>
    %add3A_447 = vector.broadcast %get3A_436 : f32 to vector<264x512xf32>
    %add3A_448 = arith.addf %mul3A_446, %add3A_447 : vector<264x512xf32>
    %max3A_449 = arith.constant 0.000000e+00 : f32
    %max3A_450 = vector.broadcast %max3A_449 : f32 to vector<264x512xf32>
    %max3A_451 = arith.maximumf %add3A_448, %max3A_450 : vector<264x512xf32>
    %bitcast_convert_type3A_452 = tpu.bitcast %max3A_451 : vector<264x512xf32> -> vector<264x512xi32>
    %add3A_453 = arith.constant 32767 : i32
    %add3A_454 = vector.broadcast %add3A_453 : i32 to vector<264x512xi32>
    %add3A_455 = arith.addi %bitcast_convert_type3A_452, %add3A_454 : vector<264x512xi32>
    %shift_right_logical3A_456 = arith.constant 16 : i32
    %shift_right_logical3A_457 = vector.broadcast %shift_right_logical3A_456 : i32 to vector<264x512xi32>
    %shift_right_logical3A_458 = arith.shrui %bitcast_convert_type3A_452, %shift_right_logical3A_457 : vector<264x512xi32>
    %and3A_459 = arith.constant 1 : i32
    %and3A_460 = vector.broadcast %and3A_459 : i32 to vector<264x512xi32>
    %and3A_461 = arith.andi %shift_right_logical3A_458, %and3A_460 : vector<264x512xi32>
    %add3A_462 = arith.addi %add3A_455, %and3A_461 : vector<264x512xi32>
    %and3A_463 = arith.constant -65536 : i32
    %and3A_464 = vector.broadcast %and3A_463 : i32 to vector<264x512xi32>
    %and3A_465 = arith.andi %add3A_462, %and3A_464 : vector<264x512xi32>
    %bitcast_convert_type3A_466 = tpu.bitcast %and3A_465 : vector<264x512xi32> -> vector<264x512xf32>
    %mul3A_467 = vector.broadcast %get3A_438 : f32 to vector<264x512xf32>
    %mul3A_468 = arith.mulf %mul3A_467, %bitcast_convert_type3A_466 : vector<264x512xf32>
    %add3A_469 = arith.addf %add3A_426, %mul3A_468 : vector<264x512xf32>
    %get3A_470 = arith.constant 11 : index
    %get3A_471 = memref.load %arg7[%get3A_470] : memref<128xf32, #tpu.memory_space<smem>>
    %get3A_472 = arith.constant 27 : index
    %get3A_473 = memref.load %arg7[%get3A_472] : memref<128xf32, #tpu.memory_space<smem>>
    %get3A_474 = arith.constant 43 : index
    %get3A_475 = memref.load %arg7[%get3A_474] : memref<128xf32, #tpu.memory_space<smem>>
    %get3A_476 = arith.constant 59 : index
    %get3A_477 = memref.load %arg7[%get3A_476] : memref<128xf32, #tpu.memory_space<smem>>
    %get3A_478 = arith.constant 75 : index
    %get3A_479 = memref.load %arg7[%get3A_478] : memref<128xf32, #tpu.memory_space<smem>>
    %get3A_480 = arith.constant 91 : index
    %get3A_481 = memref.load %arg7[%get3A_480] : memref<128xf32, #tpu.memory_space<smem>>
    %mul3A_482 = vector.broadcast %get3A_471 : f32 to vector<264x512xf32>
    %mul3A_483 = arith.mulf %mul3A_482, %get3A_3 : vector<264x512xf32>
    %sub3A_484 = vector.broadcast %get3A_473 : f32 to vector<264x512xf32>
    %sub3A_485 = arith.subf %mul3A_483, %sub3A_484 : vector<264x512xf32>
    %div3A_486 = vector.broadcast %get3A_475 : f32 to vector<264x512xf32>
    %div3A_487 = arith.divf %sub3A_485, %div3A_486 : vector<264x512xf32>
    %mul3A_488 = vector.broadcast %get3A_477 : f32 to vector<264x512xf32>
    %mul3A_489 = arith.mulf %div3A_487, %mul3A_488 : vector<264x512xf32>
    %add3A_490 = vector.broadcast %get3A_479 : f32 to vector<264x512xf32>
    %add3A_491 = arith.addf %mul3A_489, %add3A_490 : vector<264x512xf32>
    %max3A_492 = arith.constant 0.000000e+00 : f32
    %max3A_493 = vector.broadcast %max3A_492 : f32 to vector<264x512xf32>
    %max3A_494 = arith.maximumf %add3A_491, %max3A_493 : vector<264x512xf32>
    %bitcast_convert_type3A_495 = tpu.bitcast %max3A_494 : vector<264x512xf32> -> vector<264x512xi32>
    %add3A_496 = arith.constant 32767 : i32
    %add3A_497 = vector.broadcast %add3A_496 : i32 to vector<264x512xi32>
    %add3A_498 = arith.addi %bitcast_convert_type3A_495, %add3A_497 : vector<264x512xi32>
    %shift_right_logical3A_499 = arith.constant 16 : i32
    %shift_right_logical3A_500 = vector.broadcast %shift_right_logical3A_499 : i32 to vector<264x512xi32>
    %shift_right_logical3A_501 = arith.shrui %bitcast_convert_type3A_495, %shift_right_logical3A_500 : vector<264x512xi32>
    %and3A_502 = arith.constant 1 : i32
    %and3A_503 = vector.broadcast %and3A_502 : i32 to vector<264x512xi32>
    %and3A_504 = arith.andi %shift_right_logical3A_501, %and3A_503 : vector<264x512xi32>
    %add3A_505 = arith.addi %add3A_498, %and3A_504 : vector<264x512xi32>
    %and3A_506 = arith.constant -65536 : i32
    %and3A_507 = vector.broadcast %and3A_506 : i32 to vector<264x512xi32>
    %and3A_508 = arith.andi %add3A_505, %and3A_507 : vector<264x512xi32>
    %bitcast_convert_type3A_509 = tpu.bitcast %and3A_508 : vector<264x512xi32> -> vector<264x512xf32>
    %mul3A_510 = vector.broadcast %get3A_481 : f32 to vector<264x512xf32>
    %mul3A_511 = arith.mulf %mul3A_510, %bitcast_convert_type3A_509 : vector<264x512xf32>
    %add3A_512 = arith.addf %add3A_469, %mul3A_511 : vector<264x512xf32>
    %get3A_513 = arith.constant 12 : index
    %get3A_514 = memref.load %arg7[%get3A_513] : memref<128xf32, #tpu.memory_space<smem>>
    %get3A_515 = arith.constant 28 : index
    %get3A_516 = memref.load %arg7[%get3A_515] : memref<128xf32, #tpu.memory_space<smem>>
    %get3A_517 = arith.constant 44 : index
    %get3A_518 = memref.load %arg7[%get3A_517] : memref<128xf32, #tpu.memory_space<smem>>
    %get3A_519 = arith.constant 60 : index
    %get3A_520 = memref.load %arg7[%get3A_519] : memref<128xf32, #tpu.memory_space<smem>>
    %get3A_521 = arith.constant 76 : index
    %get3A_522 = memref.load %arg7[%get3A_521] : memref<128xf32, #tpu.memory_space<smem>>
    %get3A_523 = arith.constant 92 : index
    %get3A_524 = memref.load %arg7[%get3A_523] : memref<128xf32, #tpu.memory_space<smem>>
    %mul3A_525 = vector.broadcast %get3A_514 : f32 to vector<264x512xf32>
    %mul3A_526 = arith.mulf %mul3A_525, %get3A_3 : vector<264x512xf32>
    %sub3A_527 = vector.broadcast %get3A_516 : f32 to vector<264x512xf32>
    %sub3A_528 = arith.subf %mul3A_526, %sub3A_527 : vector<264x512xf32>
    %div3A_529 = vector.broadcast %get3A_518 : f32 to vector<264x512xf32>
    %div3A_530 = arith.divf %sub3A_528, %div3A_529 : vector<264x512xf32>
    %mul3A_531 = vector.broadcast %get3A_520 : f32 to vector<264x512xf32>
    %mul3A_532 = arith.mulf %div3A_530, %mul3A_531 : vector<264x512xf32>
    %add3A_533 = vector.broadcast %get3A_522 : f32 to vector<264x512xf32>
    %add3A_534 = arith.addf %mul3A_532, %add3A_533 : vector<264x512xf32>
    %max3A_535 = arith.constant 0.000000e+00 : f32
    %max3A_536 = vector.broadcast %max3A_535 : f32 to vector<264x512xf32>
    %max3A_537 = arith.maximumf %add3A_534, %max3A_536 : vector<264x512xf32>
    %bitcast_convert_type3A_538 = tpu.bitcast %max3A_537 : vector<264x512xf32> -> vector<264x512xi32>
    %add3A_539 = arith.constant 32767 : i32
    %add3A_540 = vector.broadcast %add3A_539 : i32 to vector<264x512xi32>
    %add3A_541 = arith.addi %bitcast_convert_type3A_538, %add3A_540 : vector<264x512xi32>
    %shift_right_logical3A_542 = arith.constant 16 : i32
    %shift_right_logical3A_543 = vector.broadcast %shift_right_logical3A_542 : i32 to vector<264x512xi32>
    %shift_right_logical3A_544 = arith.shrui %bitcast_convert_type3A_538, %shift_right_logical3A_543 : vector<264x512xi32>
    %and3A_545 = arith.constant 1 : i32
    %and3A_546 = vector.broadcast %and3A_545 : i32 to vector<264x512xi32>
    %and3A_547 = arith.andi %shift_right_logical3A_544, %and3A_546 : vector<264x512xi32>
    %add3A_548 = arith.addi %add3A_541, %and3A_547 : vector<264x512xi32>
    %and3A_549 = arith.constant -65536 : i32
    %and3A_550 = vector.broadcast %and3A_549 : i32 to vector<264x512xi32>
    %and3A_551 = arith.andi %add3A_548, %and3A_550 : vector<264x512xi32>
    %bitcast_convert_type3A_552 = tpu.bitcast %and3A_551 : vector<264x512xi32> -> vector<264x512xf32>
    %mul3A_553 = vector.broadcast %get3A_524 : f32 to vector<264x512xf32>
    %mul3A_554 = arith.mulf %mul3A_553, %bitcast_convert_type3A_552 : vector<264x512xf32>
    %add3A_555 = arith.addf %add3A_512, %mul3A_554 : vector<264x512xf32>
    %get3A_556 = arith.constant 13 : index
    %get3A_557 = memref.load %arg7[%get3A_556] : memref<128xf32, #tpu.memory_space<smem>>
    %get3A_558 = arith.constant 29 : index
    %get3A_559 = memref.load %arg7[%get3A_558] : memref<128xf32, #tpu.memory_space<smem>>
    %get3A_560 = arith.constant 45 : index
    %get3A_561 = memref.load %arg7[%get3A_560] : memref<128xf32, #tpu.memory_space<smem>>
    %get3A_562 = arith.constant 61 : index
    %get3A_563 = memref.load %arg7[%get3A_562] : memref<128xf32, #tpu.memory_space<smem>>
    %get3A_564 = arith.constant 77 : index
    %get3A_565 = memref.load %arg7[%get3A_564] : memref<128xf32, #tpu.memory_space<smem>>
    %get3A_566 = arith.constant 93 : index
    %get3A_567 = memref.load %arg7[%get3A_566] : memref<128xf32, #tpu.memory_space<smem>>
    %mul3A_568 = vector.broadcast %get3A_557 : f32 to vector<264x512xf32>
    %mul3A_569 = arith.mulf %mul3A_568, %get3A_3 : vector<264x512xf32>
    %sub3A_570 = vector.broadcast %get3A_559 : f32 to vector<264x512xf32>
    %sub3A_571 = arith.subf %mul3A_569, %sub3A_570 : vector<264x512xf32>
    %div3A_572 = vector.broadcast %get3A_561 : f32 to vector<264x512xf32>
    %div3A_573 = arith.divf %sub3A_571, %div3A_572 : vector<264x512xf32>
    %mul3A_574 = vector.broadcast %get3A_563 : f32 to vector<264x512xf32>
    %mul3A_575 = arith.mulf %div3A_573, %mul3A_574 : vector<264x512xf32>
    %add3A_576 = vector.broadcast %get3A_565 : f32 to vector<264x512xf32>
    %add3A_577 = arith.addf %mul3A_575, %add3A_576 : vector<264x512xf32>
    %max3A_578 = arith.constant 0.000000e+00 : f32
    %max3A_579 = vector.broadcast %max3A_578 : f32 to vector<264x512xf32>
    %max3A_580 = arith.maximumf %add3A_577, %max3A_579 : vector<264x512xf32>
    %bitcast_convert_type3A_581 = tpu.bitcast %max3A_580 : vector<264x512xf32> -> vector<264x512xi32>
    %add3A_582 = arith.constant 32767 : i32
    %add3A_583 = vector.broadcast %add3A_582 : i32 to vector<264x512xi32>
    %add3A_584 = arith.addi %bitcast_convert_type3A_581, %add3A_583 : vector<264x512xi32>
    %shift_right_logical3A_585 = arith.constant 16 : i32
    %shift_right_logical3A_586 = vector.broadcast %shift_right_logical3A_585 : i32 to vector<264x512xi32>
    %shift_right_logical3A_587 = arith.shrui %bitcast_convert_type3A_581, %shift_right_logical3A_586 : vector<264x512xi32>
    %and3A_588 = arith.constant 1 : i32
    %and3A_589 = vector.broadcast %and3A_588 : i32 to vector<264x512xi32>
    %and3A_590 = arith.andi %shift_right_logical3A_587, %and3A_589 : vector<264x512xi32>
    %add3A_591 = arith.addi %add3A_584, %and3A_590 : vector<264x512xi32>
    %and3A_592 = arith.constant -65536 : i32
    %and3A_593 = vector.broadcast %and3A_592 : i32 to vector<264x512xi32>
    %and3A_594 = arith.andi %add3A_591, %and3A_593 : vector<264x512xi32>
    %bitcast_convert_type3A_595 = tpu.bitcast %and3A_594 : vector<264x512xi32> -> vector<264x512xf32>
    %mul3A_596 = vector.broadcast %get3A_567 : f32 to vector<264x512xf32>
    %mul3A_597 = arith.mulf %mul3A_596, %bitcast_convert_type3A_595 : vector<264x512xf32>
    %add3A_598 = arith.addf %add3A_555, %mul3A_597 : vector<264x512xf32>
    %get3A_599 = arith.constant 14 : index
    %get3A_600 = memref.load %arg7[%get3A_599] : memref<128xf32, #tpu.memory_space<smem>>
    %get3A_601 = arith.constant 30 : index
    %get3A_602 = memref.load %arg7[%get3A_601] : memref<128xf32, #tpu.memory_space<smem>>
    %get3A_603 = arith.constant 46 : index
    %get3A_604 = memref.load %arg7[%get3A_603] : memref<128xf32, #tpu.memory_space<smem>>
    %get3A_605 = arith.constant 62 : index
    %get3A_606 = memref.load %arg7[%get3A_605] : memref<128xf32, #tpu.memory_space<smem>>
    %get3A_607 = arith.constant 78 : index
    %get3A_608 = memref.load %arg7[%get3A_607] : memref<128xf32, #tpu.memory_space<smem>>
    %get3A_609 = arith.constant 94 : index
    %get3A_610 = memref.load %arg7[%get3A_609] : memref<128xf32, #tpu.memory_space<smem>>
    %mul3A_611 = vector.broadcast %get3A_600 : f32 to vector<264x512xf32>
    %mul3A_612 = arith.mulf %mul3A_611, %get3A_3 : vector<264x512xf32>
    %sub3A_613 = vector.broadcast %get3A_602 : f32 to vector<264x512xf32>
    %sub3A_614 = arith.subf %mul3A_612, %sub3A_613 : vector<264x512xf32>
    %div3A_615 = vector.broadcast %get3A_604 : f32 to vector<264x512xf32>
    %div3A_616 = arith.divf %sub3A_614, %div3A_615 : vector<264x512xf32>
    %mul3A_617 = vector.broadcast %get3A_606 : f32 to vector<264x512xf32>
    %mul3A_618 = arith.mulf %div3A_616, %mul3A_617 : vector<264x512xf32>
    %add3A_619 = vector.broadcast %get3A_608 : f32 to vector<264x512xf32>
    %add3A_620 = arith.addf %mul3A_618, %add3A_619 : vector<264x512xf32>
    %max3A_621 = arith.constant 0.000000e+00 : f32
    %max3A_622 = vector.broadcast %max3A_621 : f32 to vector<264x512xf32>
    %max3A_623 = arith.maximumf %add3A_620, %max3A_622 : vector<264x512xf32>
    %bitcast_convert_type3A_624 = tpu.bitcast %max3A_623 : vector<264x512xf32> -> vector<264x512xi32>
    %add3A_625 = arith.constant 32767 : i32
    %add3A_626 = vector.broadcast %add3A_625 : i32 to vector<264x512xi32>
    %add3A_627 = arith.addi %bitcast_convert_type3A_624, %add3A_626 : vector<264x512xi32>
    %shift_right_logical3A_628 = arith.constant 16 : i32
    %shift_right_logical3A_629 = vector.broadcast %shift_right_logical3A_628 : i32 to vector<264x512xi32>
    %shift_right_logical3A_630 = arith.shrui %bitcast_convert_type3A_624, %shift_right_logical3A_629 : vector<264x512xi32>
    %and3A_631 = arith.constant 1 : i32
    %and3A_632 = vector.broadcast %and3A_631 : i32 to vector<264x512xi32>
    %and3A_633 = arith.andi %shift_right_logical3A_630, %and3A_632 : vector<264x512xi32>
    %add3A_634 = arith.addi %add3A_627, %and3A_633 : vector<264x512xi32>
    %and3A_635 = arith.constant -65536 : i32
    %and3A_636 = vector.broadcast %and3A_635 : i32 to vector<264x512xi32>
    %and3A_637 = arith.andi %add3A_634, %and3A_636 : vector<264x512xi32>
    %bitcast_convert_type3A_638 = tpu.bitcast %and3A_637 : vector<264x512xi32> -> vector<264x512xf32>
    %mul3A_639 = vector.broadcast %get3A_610 : f32 to vector<264x512xf32>
    %mul3A_640 = arith.mulf %mul3A_639, %bitcast_convert_type3A_638 : vector<264x512xf32>
    %add3A_641 = arith.addf %add3A_598, %mul3A_640 : vector<264x512xf32>
    %get3A_642 = arith.constant 15 : index
    %get3A_643 = memref.load %arg7[%get3A_642] : memref<128xf32, #tpu.memory_space<smem>>
    %get3A_644 = arith.constant 31 : index
    %get3A_645 = memref.load %arg7[%get3A_644] : memref<128xf32, #tpu.memory_space<smem>>
    %get3A_646 = arith.constant 47 : index
    %get3A_647 = memref.load %arg7[%get3A_646] : memref<128xf32, #tpu.memory_space<smem>>
    %get3A_648 = arith.constant 63 : index
    %get3A_649 = memref.load %arg7[%get3A_648] : memref<128xf32, #tpu.memory_space<smem>>
    %get3A_650 = arith.constant 79 : index
    %get3A_651 = memref.load %arg7[%get3A_650] : memref<128xf32, #tpu.memory_space<smem>>
    %get3A_652 = arith.constant 95 : index
    %get3A_653 = memref.load %arg7[%get3A_652] : memref<128xf32, #tpu.memory_space<smem>>
    %mul3A_654 = vector.broadcast %get3A_643 : f32 to vector<264x512xf32>
    %mul3A_655 = arith.mulf %mul3A_654, %get3A_3 : vector<264x512xf32>
    %sub3A_656 = vector.broadcast %get3A_645 : f32 to vector<264x512xf32>
    %sub3A_657 = arith.subf %mul3A_655, %sub3A_656 : vector<264x512xf32>
    %div3A_658 = vector.broadcast %get3A_647 : f32 to vector<264x512xf32>
    %div3A_659 = arith.divf %sub3A_657, %div3A_658 : vector<264x512xf32>
    %mul3A_660 = vector.broadcast %get3A_649 : f32 to vector<264x512xf32>
    %mul3A_661 = arith.mulf %div3A_659, %mul3A_660 : vector<264x512xf32>
    %add3A_662 = vector.broadcast %get3A_651 : f32 to vector<264x512xf32>
    %add3A_663 = arith.addf %mul3A_661, %add3A_662 : vector<264x512xf32>
    %max3A_664 = arith.constant 0.000000e+00 : f32
    %max3A_665 = vector.broadcast %max3A_664 : f32 to vector<264x512xf32>
    %max3A_666 = arith.maximumf %add3A_663, %max3A_665 : vector<264x512xf32>
    %bitcast_convert_type3A_667 = tpu.bitcast %max3A_666 : vector<264x512xf32> -> vector<264x512xi32>
    %add3A_668 = arith.constant 32767 : i32
    %add3A_669 = vector.broadcast %add3A_668 : i32 to vector<264x512xi32>
    %add3A_670 = arith.addi %bitcast_convert_type3A_667, %add3A_669 : vector<264x512xi32>
    %shift_right_logical3A_671 = arith.constant 16 : i32
    %shift_right_logical3A_672 = vector.broadcast %shift_right_logical3A_671 : i32 to vector<264x512xi32>
    %shift_right_logical3A_673 = arith.shrui %bitcast_convert_type3A_667, %shift_right_logical3A_672 : vector<264x512xi32>
    %and3A_674 = arith.constant 1 : i32
    %and3A_675 = vector.broadcast %and3A_674 : i32 to vector<264x512xi32>
    %and3A_676 = arith.andi %shift_right_logical3A_673, %and3A_675 : vector<264x512xi32>
    %add3A_677 = arith.addi %add3A_670, %and3A_676 : vector<264x512xi32>
    %and3A_678 = arith.constant -65536 : i32
    %and3A_679 = vector.broadcast %and3A_678 : i32 to vector<264x512xi32>
    %and3A_680 = arith.andi %add3A_677, %and3A_679 : vector<264x512xi32>
    %bitcast_convert_type3A_681 = tpu.bitcast %and3A_680 : vector<264x512xi32> -> vector<264x512xf32>
    %mul3A_682 = vector.broadcast %get3A_653 : f32 to vector<264x512xf32>
    %mul3A_683 = arith.mulf %mul3A_682, %bitcast_convert_type3A_681 : vector<264x512xf32>
    %add3A_684 = arith.addf %add3A_641, %mul3A_683 : vector<264x512xf32>
    %get3A_685 = arith.constant 0 : index
    %get3A_686 = arith.constant 0 : index
    %get3A_687 = vector.load %arg3[%get3A_685, %get3A_686] : memref<32x264xf32, #tpu.memory_space<vmem>>, vector<32x264xf32>
    %get3A_688 = arith.constant 0 : index
    %get3A_689 = arith.constant 0 : index
    %get3A_690 = vector.load %arg5[%get3A_688, %get3A_689] : memref<512x32xf32, #tpu.memory_space<vmem>>, vector<512x32xf32>
    %dot_general3A = arith.constant dense<0.000000e+00> : vector<264x32xf32>
    %dot_general3A_691 = tpu.matmul %add3A_684, %get3A_690, %dot_general3A {dimension_numbers = #tpu.dot_dimension_numbers<[1], [0], [0], [1], [0, 0, 1, 1], [], []>, precision = #tpu.contract_precision<fp32>, transpose_lhs_hint = false} : vector<264x512xf32>, vector<512x32xf32>, vector<264x32xf32> -> vector<264x32xf32>
    %dot_general3A_692 = arith.constant dense<0.000000e+00> : vector<32x32xf32>
    %dot_general3A_693 = tpu.matmul %get3A_687, %dot_general3A_691, %dot_general3A_692 {dimension_numbers = #tpu.dot_dimension_numbers<[1], [0], [0], [1], [0, 0, 1, 1], [], []>, precision = #tpu.contract_precision<fp32>, transpose_lhs_hint = false} : vector<32x264xf32>, vector<264x32xf32>, vector<32x32xf32> -> vector<32x32xf32>
    %get3A_694 = arith.constant 0 : index
    %get3A_695 = arith.constant 0 : index
    %get3A_696 = vector.load %arg4[%get3A_694, %get3A_695] : memref<32x264xf32, #tpu.memory_space<vmem>>, vector<32x264xf32>
    %get3A_697 = arith.constant 0 : index
    %get3A_698 = arith.constant 0 : index
    %get3A_699 = vector.load %arg6[%get3A_697, %get3A_698] : memref<512x32xf32, #tpu.memory_space<vmem>>, vector<512x32xf32>
    %dot_general3A_700 = arith.constant dense<0.000000e+00> : vector<264x32xf32>
    %dot_general3A_701 = tpu.matmul %add3A_684, %get3A_699, %dot_general3A_700 {dimension_numbers = #tpu.dot_dimension_numbers<[1], [0], [0], [1], [0, 0, 1, 1], [], []>, precision = #tpu.contract_precision<fp32>, transpose_lhs_hint = false} : vector<264x512xf32>, vector<512x32xf32>, vector<264x32xf32> -> vector<264x32xf32>
    %dot_general3A_702 = arith.constant dense<0.000000e+00> : vector<32x32xf32>
    %dot_general3A_703 = tpu.matmul %get3A_696, %dot_general3A_701, %dot_general3A_702 {dimension_numbers = #tpu.dot_dimension_numbers<[1], [0], [0], [1], [0, 0, 1, 1], [], []>, precision = #tpu.contract_precision<fp32>, transpose_lhs_hint = false} : vector<32x264xf32>, vector<264x32xf32>, vector<32x32xf32> -> vector<32x32xf32>
    %add3A_704 = arith.addf %dot_general3A_693, %dot_general3A_703 : vector<32x32xf32>
    %mul3A_705 = arith.constant 3.906250e-03 : f32
    %mul3A_706 = vector.broadcast %mul3A_705 : f32 to vector<32x32xf32>
    %mul3A_707 = arith.mulf %add3A_704, %mul3A_706 : vector<32x32xf32>
    %get3A_708 = arith.constant 96 : index
    %get3A_709 = memref.load %arg7[%get3A_708] : memref<128xf32, #tpu.memory_space<smem>>
    %add3A_710 = vector.broadcast %get3A_709 : f32 to vector<32x32xf32>
    %add3A_711 = arith.addf %mul3A_707, %add3A_710 : vector<32x32xf32>
    %neg3A = arith.constant 0.000000e+00 : f32
    %neg3A_712 = vector.broadcast %neg3A : f32 to vector<32x32xf32>
    %neg3A_713 = arith.subf %neg3A_712, %add3A_711 : vector<32x32xf32>
    %exp3A = math.exp %neg3A_713 : vector<32x32xf32>
    %add3A_714 = arith.constant 1.000000e+00 : f32
    %add3A_715 = vector.broadcast %add3A_714 : f32 to vector<32x32xf32>
    %add3A_716 = arith.addf %add3A_715, %exp3A : vector<32x32xf32>
    %div3A_717 = arith.constant 1.000000e+00 : f32
    %div3A_718 = vector.broadcast %div3A_717 : f32 to vector<32x32xf32>
    %div3A_719 = arith.divf %div3A_718, %add3A_716 : vector<32x32xf32>
    %get3A_720 = arith.constant 0 : index
    %get3A_721 = arith.constant 0 : index
    %get3A_722 = arith.constant 0 : index
    %get3A_723 = vector.load %arg2[%get3A_720, %get3A_721, %get3A_722] : memref<1x32x32xf32, #tpu.memory_space<vmem>>, vector<1x32x32xf32>
    %get3A_724 = vector.shape_cast %get3A_723 : vector<1x32x32xf32> to vector<32x32xf32>
    %mul3A_725 = arith.constant 3.906250e-03 : f32
    %mul3A_726 = vector.broadcast %mul3A_725 : f32 to vector<32x32xf32>
    %mul3A_727 = arith.mulf %get3A_724, %mul3A_726 : vector<32x32xf32>
    %mul3A_728 = arith.mulf %mul3A_727, %div3A_719 : vector<32x32xf32>
    %swap3A = arith.constant 0 : index
    %swap3A_729 = arith.constant 0 : index
    %swap3A_730 = arith.constant 0 : index
    %swap3A_731 = vector.load %arg8[%swap3A, %swap3A_729, %swap3A_730] : memref<1x32x32xf32, #tpu.memory_space<vmem>>, vector<1x32x32xf32>
    %swap3A_732 = vector.shape_cast %swap3A_731 : vector<1x32x32xf32> to vector<32x32xf32>
    %swap3A_733 = vector.shape_cast %mul3A_728 : vector<32x32xf32> to vector<1x32x32xf32>
    tpu.vector_store %arg8[%swap3A, %swap3A_729, %swap3A_730], %swap3A_733 {strides = array<i32>} : memref<1x32x32xf32, #tpu.memory_space<vmem>>, vector<1x32x32xf32>,
    return
  }
  func.func @transform_0(%arg0: i32) -> (i32, i32, i32) {
    %c0_i32 = arith.constant 0 : i32
    %c0_i32_0 = arith.constant 0 : i32
    %c0_i32_1 = arith.constant 0 : i32
    return %arg0, %c0_i32, %c0_i32_0 : i32, i32, i32
  }
  func.func @transform_1(%arg0: i32) -> (i32, i32, i32) {
    %c0_i32 = arith.constant 0 : i32
    %c0_i32_0 = arith.constant 0 : i32
    %c0_i32_1 = arith.constant 0 : i32
    return %arg0, %c0_i32, %c0_i32_0 : i32, i32, i32
  }
  func.func @transform_2(%arg0: i32) -> (i32, i32) {
    %c0_i32 = arith.constant 0 : i32
    %c0_i32_0 = arith.constant 0 : i32
    %c0_i32_1 = arith.constant 0 : i32
    return %c0_i32, %c0_i32_0 : i32, i32
  }
  func.func @transform_3(%arg0: i32) -> (i32, i32) {
    %c0_i32 = arith.constant 0 : i32
    %c0_i32_0 = arith.constant 0 : i32
    %c0_i32_1 = arith.constant 0 : i32
    return %c0_i32, %c0_i32_0 : i32, i32
  }
  func.func @transform_4(%arg0: i32) -> (i32, i32) {
    %c0_i32 = arith.constant 0 : i32
    %c0_i32_0 = arith.constant 0 : i32
    %c0_i32_1 = arith.constant 0 : i32
    return %c0_i32, %c0_i32_0 : i32, i32
  }
  func.func @transform_5(%arg0: i32) -> (i32, i32) {
    %c0_i32 = arith.constant 0 : i32
    %c0_i32_0 = arith.constant 0 : i32
    %c0_i32_1 = arith.constant 0 : i32
    return %c0_i32, %c0_i32_0 : i32, i32
  }
  func.func @transform_6(%arg0: i32) -> i32 {
    %c0_i32 = arith.constant 0 : i32
    %c0_i32_0 = arith.constant 0 : i32
    return %c0_i32 : i32
  }
  func.func @transform_7(%arg0: i32) -> (i32, i32, i32) {
    %c0_i32 = arith.constant 0 : i32
    %c0_i32_0 = arith.constant 0 : i32
    %c0_i32_1 = arith.constant 0 : i32
    return %arg0, %c0_i32, %c0_i32_0 : i32, i32, i32
  }
}

module attributes {stable_mosaic.version = 14 : i64} {
  func.func @_rank_body(%arg0: i32, %arg1: memref<1x1x1024xf32, #tpu.memory_space<vmem>>, %arg2: memref<1x1024x1xf32, #tpu.memory_space<vmem>>, %arg3: memref<1x1x1024xf32, #tpu.memory_space<vmem>>, %arg4: memref<1x1024x1xf32, #tpu.memory_space<vmem>>, %arg5: memref<1x1x1024xf32, #tpu.memory_space<vmem>>, %arg6: memref<1x1x1024xi32, #tpu.memory_space<vmem>>, %arg7: memref<1x256x1xi32, #tpu.memory_space<vmem>>) attributes {dimension_semantics = [#tpu.dimension_semantics<arbitrary>], iteration_bounds = array<i64: 64>, scalar_prefetch = 0 : i64, scratch_operands = 0 : i64, tpu.core_type = #tpu.core_type<tc>, window_params = [{transform_indices = @transform_0, window_bounds = array<i64: 1, 1, 1024>}, {transform_indices = @transform_1, window_bounds = array<i64: 1, 1024, 1>}, {transform_indices = @transform_2, window_bounds = array<i64: 1, 1, 1024>}, {transform_indices = @transform_3, window_bounds = array<i64: 1, 1024, 1>}, {transform_indices = @transform_4, window_bounds = array<i64: 1, 1, 1024>}, {transform_indices = @transform_5, window_bounds = array<i64: 1, 1, 1024>}, {transform_indices = @transform_6, window_bounds = array<i64: 1, 256, 1>}]} {
    %get3A = arith.constant 0 : index
    %get3A_0 = arith.constant 0 : index
    %get3A_1 = arith.constant 0 : index
    %get3A_2 = vector.load %arg1[%get3A, %get3A_0, %get3A_1] : memref<1x1x1024xf32, #tpu.memory_space<vmem>>, vector<1x1x1024xf32>
    %get3A_3 = vector.shape_cast %get3A_2 : vector<1x1x1024xf32> to vector<1x1024xf32>
    %get3A_4 = arith.constant 0 : index
    %get3A_5 = arith.constant 0 : index
    %get3A_6 = arith.constant 0 : index
    %get3A_7 = vector.load %arg2[%get3A_4, %get3A_5, %get3A_6] : memref<1x1024x1xf32, #tpu.memory_space<vmem>>, vector<1x1024x1xf32>
    %get3A_8 = vector.shape_cast %get3A_7 : vector<1x1024x1xf32> to vector<1024x1xf32>
    %get3A_9 = arith.constant 0 : index
    %get3A_10 = arith.constant 0 : index
    %get3A_11 = arith.constant 0 : index
    %get3A_12 = vector.load %arg3[%get3A_9, %get3A_10, %get3A_11] : memref<1x1x1024xf32, #tpu.memory_space<vmem>>, vector<1x1x1024xf32>
    %get3A_13 = vector.shape_cast %get3A_12 : vector<1x1x1024xf32> to vector<1x1024xf32>
    %get3A_14 = arith.constant 0 : index
    %get3A_15 = arith.constant 0 : index
    %get3A_16 = arith.constant 0 : index
    %get3A_17 = vector.load %arg4[%get3A_14, %get3A_15, %get3A_16] : memref<1x1024x1xf32, #tpu.memory_space<vmem>>, vector<1x1024x1xf32>
    %get3A_18 = vector.shape_cast %get3A_17 : vector<1x1024x1xf32> to vector<1024x1xf32>
    %iota3A = tpu.iota {dimensions = array<i32: 0>} : vector<1024x1024xi32>
    %iota3A_19 = tpu.iota {dimensions = array<i32: 1>} : vector<1024x1024xi32>
    %gt3A = vector.broadcast %get3A_3 : vector<1x1024xf32> to vector<1024x1024xf32>
    %gt3A_20 = vector.broadcast %get3A_8 : vector<1024x1xf32> to vector<1024x1024xf32>
    %gt3A_21 = arith.cmpf ogt, %gt3A, %gt3A_20 : vector<1024x1024xf32>
    %eq3A = vector.broadcast %get3A_3 : vector<1x1024xf32> to vector<1024x1024xf32>
    %eq3A_22 = vector.broadcast %get3A_8 : vector<1024x1xf32> to vector<1024x1024xf32>
    %eq3A_23 = arith.cmpf oeq, %eq3A, %eq3A_22 : vector<1024x1024xf32>
    %lt3A = arith.cmpi slt, %iota3A_19, %iota3A : vector<1024x1024xi32>
    %and3A = arith.andi %eq3A_23, %lt3A : vector<1024x1024xi1>
    %or3A = arith.ori %gt3A_21, %and3A : vector<1024x1024xi1>
    %convert_element_type3A = arith.extui %or3A : vector<1024x1024xi1> to vector<1024x1024xi32>
    %reduce_sum3A = arith.constant dense<0> : vector<1024xi32>
    %reduce_sum3A_24 = vector.multi_reduction <add>, %convert_element_type3A, %reduce_sum3A [1] : vector<1024x1024xi32> to vector<1024xi32>
    %broadcast_in_dim3A = vector.shape_cast %reduce_sum3A_24 : vector<1024xi32> to vector<1024x1xi32>
    %lt3A_25 = arith.constant 768 : i32
    %lt3A_26 = vector.broadcast %lt3A_25 : i32 to vector<1024x1xi32>
    %lt3A_27 = arith.cmpi slt, %broadcast_in_dim3A, %lt3A_26 : vector<1024x1xi32>
    %lt3A_28 = vector.broadcast %get3A_18 : vector<1024x1xf32> to vector<1024x1024xf32>
    %lt3A_29 = vector.broadcast %get3A_13 : vector<1x1024xf32> to vector<1024x1024xf32>
    %lt3A_30 = arith.cmpf olt, %lt3A_28, %lt3A_29 : vector<1024x1024xf32>
    %eq3A_31 = vector.broadcast %get3A_18 : vector<1024x1xf32> to vector<1024x1024xf32>
    %eq3A_32 = vector.broadcast %get3A_13 : vector<1x1024xf32> to vector<1024x1024xf32>
    %eq3A_33 = arith.cmpf oeq, %eq3A_31, %eq3A_32 : vector<1024x1024xf32>
    %lt3A_34 = arith.cmpi slt, %iota3A, %iota3A_19 : vector<1024x1024xi32>
    %and3A_35 = arith.andi %eq3A_33, %lt3A_34 : vector<1024x1024xi1>
    %or3A_36 = arith.ori %lt3A_30, %and3A_35 : vector<1024x1024xi1>
    %convert_element_type3A_37 = arith.extui %or3A_36 : vector<1024x1024xi1> to vector<1024x1024xi32>
    %reduce_sum3A_38 = arith.constant dense<0> : vector<1024xi32>
    %reduce_sum3A_39 = vector.multi_reduction <add>, %convert_element_type3A_37, %reduce_sum3A_38 [0] : vector<1024x1024xi32> to vector<1024xi32>
    %broadcast_in_dim3A_40 = vector.shape_cast %reduce_sum3A_39 : vector<1024xi32> to vector<1x1024xi32>
    %swap3A = arith.constant 0 : index
    %swap3A_41 = arith.constant 0 : index
    %swap3A_42 = arith.constant 0 : index
    %swap3A_43 = vector.load %arg6[%swap3A, %swap3A_41, %swap3A_42] : memref<1x1x1024xi32, #tpu.memory_space<vmem>>, vector<1x1x1024xi32>
    %swap3A_44 = vector.shape_cast %swap3A_43 : vector<1x1x1024xi32> to vector<1x1024xi32>
    %swap3A_45 = vector.shape_cast %broadcast_in_dim3A_40 : vector<1x1024xi32> to vector<1x1x1024xi32>
    tpu.vector_store %arg6[%swap3A, %swap3A_41, %swap3A_42], %swap3A_45 {strides = array<i32>} : memref<1x1x1024xi32, #tpu.memory_space<vmem>>, vector<1x1x1024xi32>,
    %eq3A_46 = vector.broadcast %broadcast_in_dim3A_40 : vector<1x1024xi32> to vector<1024x1024xi32>
    %eq3A_47 = arith.cmpi eq, %iota3A, %eq3A_46 : vector<1024x1024xi32>
    %and3A_48 = vector.broadcast %lt3A_27 : vector<1024x1xi1> to vector<1024x1024xi1>
    %and3A_49 = arith.andi %eq3A_47, %and3A_48 : vector<1024x1024xi1>
    %convert_element_type3A_50 = arith.extui %and3A_49 : vector<1024x1024xi1> to vector<1024x1024xi32>
    %convert_element_type3A_51 = arith.sitofp %convert_element_type3A_50 : vector<1024x1024xi32> to vector<1024x1024xf32>
    %reduce_sum3A_52 = arith.constant dense<0.000000e+00> : vector<1024xf32>
    %reduce_sum3A_53 = vector.multi_reduction <add>, %convert_element_type3A_51, %reduce_sum3A_52 [0] : vector<1024x1024xf32> to vector<1024xf32>
    %broadcast_in_dim3A_54 = vector.shape_cast %reduce_sum3A_53 : vector<1024xf32> to vector<1x1024xf32>
    %swap3A_55 = arith.constant 0 : index
    %swap3A_56 = arith.constant 0 : index
    %swap3A_57 = arith.constant 0 : index
    %swap3A_58 = vector.load %arg5[%swap3A_55, %swap3A_56, %swap3A_57] : memref<1x1x1024xf32, #tpu.memory_space<vmem>>, vector<1x1x1024xf32>
    %swap3A_59 = vector.shape_cast %swap3A_58 : vector<1x1x1024xf32> to vector<1x1024xf32>
    %swap3A_60 = vector.shape_cast %broadcast_in_dim3A_54 : vector<1x1024xf32> to vector<1x1x1024xf32>
    tpu.vector_store %arg5[%swap3A_55, %swap3A_56, %swap3A_57], %swap3A_60 {strides = array<i32>} : memref<1x1x1024xf32, #tpu.memory_space<vmem>>, vector<1x1x1024xf32>,
    %iota3A_61 = tpu.iota {dimensions = array<i32: 0>} : vector<256x1024xi32>
    %iota3A_62 = tpu.iota {dimensions = array<i32: 1>} : vector<256x1024xi32>
    %eq3A_63 = vector.broadcast %broadcast_in_dim3A_40 : vector<1x1024xi32> to vector<256x1024xi32>
    %eq3A_64 = arith.cmpi eq, %iota3A_61, %eq3A_63 : vector<256x1024xi32>
    %jit3A = arith.constant 0 : i32
    %broadcast_in_dim3A_65 = vector.broadcast %jit3A : i32 to vector<256x1024xi32>
    %select_n3A = arith.select %eq3A_64, %iota3A_62, %broadcast_in_dim3A_65 : vector<256x1024xi1>, vector<256x1024xi32>
    %reduce_sum3A_66 = arith.constant dense<0> : vector<256xi32>
    %reduce_sum3A_67 = vector.multi_reduction <add>, %select_n3A, %reduce_sum3A_66 [1] : vector<256x1024xi32> to vector<256xi32>
    %broadcast_in_dim3A_68 = vector.shape_cast %reduce_sum3A_67 : vector<256xi32> to vector<256x1xi32>
    %swap3A_69 = arith.constant 0 : index
    %swap3A_70 = arith.constant 0 : index
    %swap3A_71 = arith.constant 0 : index
    %swap3A_72 = vector.load %arg7[%swap3A_69, %swap3A_70, %swap3A_71] : memref<1x256x1xi32, #tpu.memory_space<vmem>>, vector<1x256x1xi32>
    %swap3A_73 = vector.shape_cast %swap3A_72 : vector<1x256x1xi32> to vector<256x1xi32>
    %swap3A_74 = vector.shape_cast %broadcast_in_dim3A_68 : vector<256x1xi32> to vector<1x256x1xi32>
    tpu.vector_store %arg7[%swap3A_69, %swap3A_70, %swap3A_71], %swap3A_74 {strides = array<i32>} : memref<1x256x1xi32, #tpu.memory_space<vmem>>, vector<1x256x1xi32>,
    return
  }
  func.func @transform_0(%arg0: i32) -> (i32, i32, i32) {
    %c0_i32 = arith.constant 0 : i32
    %c0_i32_0 = arith.constant 0 : i32
    %c0_i32_1 = arith.constant 0 : i32
    return %arg0, %c0_i32, %c0_i32_0 : i32, i32, i32
  }
  func.func @transform_1(%arg0: i32) -> (i32, i32, i32) {
    %c0_i32 = arith.constant 0 : i32
    %c0_i32_0 = arith.constant 0 : i32
    %c0_i32_1 = arith.constant 0 : i32
    return %arg0, %c0_i32, %c0_i32_0 : i32, i32, i32
  }
  func.func @transform_2(%arg0: i32) -> (i32, i32, i32) {
    %c0_i32 = arith.constant 0 : i32
    %c0_i32_0 = arith.constant 0 : i32
    %c0_i32_1 = arith.constant 0 : i32
    return %arg0, %c0_i32, %c0_i32_0 : i32, i32, i32
  }
  func.func @transform_3(%arg0: i32) -> (i32, i32, i32) {
    %c0_i32 = arith.constant 0 : i32
    %c0_i32_0 = arith.constant 0 : i32
    %c0_i32_1 = arith.constant 0 : i32
    return %arg0, %c0_i32, %c0_i32_0 : i32, i32, i32
  }
  func.func @transform_4(%arg0: i32) -> (i32, i32, i32) {
    %c0_i32 = arith.constant 0 : i32
    %c0_i32_0 = arith.constant 0 : i32
    %c0_i32_1 = arith.constant 0 : i32
    return %arg0, %c0_i32, %c0_i32_0 : i32, i32, i32
  }
  func.func @transform_5(%arg0: i32) -> (i32, i32, i32) {
    %c0_i32 = arith.constant 0 : i32
    %c0_i32_0 = arith.constant 0 : i32
    %c0_i32_1 = arith.constant 0 : i32
    return %arg0, %c0_i32, %c0_i32_0 : i32, i32, i32
  }
  func.func @transform_6(%arg0: i32) -> (i32, i32, i32) {
    %c0_i32 = arith.constant 0 : i32
    %c0_i32_0 = arith.constant 0 : i32
    %c0_i32_1 = arith.constant 0 : i32
    return %arg0, %c0_i32, %c0_i32_0 : i32, i32, i32
  }
}

</mosaic_0001>

<sc_bundles>
// kernel: kernel.6.cloned.1.call-start
scs
__scs_entry_jumppad:
0x0: {  	(pc) =	sbr.rel $0x88, $3  }
0x1: {  	(tag) =	ssettag $0x0;
	lr =	simm.s32 $0x1  }
0x2: {  	[smem:$0x3F9A] =	sst lr;
	_ =	strace $0xD0000000  }
0x3: {  	_ = 	snop  }
0x4: {  	_ = 	snop  }
0x5: {  	_ = 	snop  }
0x6: {  	_ = 	snop  }
0x7: {  	_ = 	snop  }
__scs_overlays_trampoline_lowered:
0x8: {  	[smem:$0x3FA9] =	sst s0  }
0x9: {  	[smem:$0x3FAA] =	sst s1  }
0xa: {  	[smem:$0x3FAB] =	sst s2  }
0xb: {  	[smem:$0x3FAC] =	sst s3  }
0xc: {  	[smem:$0x3FAD] =	sst s4  }
0xd: {  	[smem:$0x3FAE] =	sst s5  }
0xe: {  	[smem:$0x3FAF] =	sst s6  }
0xf: {  	[smem:$0x3FB0] =	sst s7  }
0x10: {  	[smem:$0x3FB1] =	sst s8  }
0x11: {  	[smem:$0x3FB2] =	sst s9;
	s0 =	simm.s32 @!p0 $0x0  }
0x12: {  	s1 =	sld [smem:$0x3F98];
	s0 =	simm.s32 @p0 $0x1  }
0x13: {  	[smem:$0x3FB3] =	sst s0;
	s0 =	simm.s32 @!p1 $0x0  }
0x14: {  	s2 =	sld [smem:$0x3F97];
	s0 =	simm.s32 @p1 $0x1  }
0x15: {  	[smem:$0x3FB4] =	sst s0;
	s0 =	simm.s32 @!p2 $0x0  }
0x16: {  	s3 =	sld [smem:$0x3FDB];
	s0 =	simm.s32 @p2 $0x1  }
0x17: {  	s4 =	simm.s32 $0x1BF5;
	[smem:$0x3FB6] =	sst s0  }
0x18: {  	s0 =	sld [smem:$0x3F99];
	_ =	swait.ge [sflag:s4], $0x0  }
0x19: {  	s7 =	sld [smem:$0x3F9A]  }
0x1a: {  	s8 =	sadd.s32 $0xFFFFE003, lr  }
0x1b: {  	s9 =	sadd.s32 $0xFFFFFEF7, lr;
	s5 =	simm.s32 $0xFFFFFFFF;
	p2 =	slt.u32 s8, $0xFFFFF086  }
0x1c: {  	p1 =	slt.u32 s9, $0xF7A;
	s5 =	simm.s32 @!p2 $0x0  }
0x1d: {  	s5 =	simm.s32 @p1 $0x1;
	p0 =	seq.s32 s7, s2  }
0x1e: {  	s7 =	smul.u32 @!p0 $0xF7A, s2;
	p2 =	seq.s32 @!p0 s5, $0x0  }
0x1f: {  	s9 =	smul.u32 $0xF7A, s1;
	s8 =	simm.s32 @!p0 $0x1BF5;
	p2 =	por !p2, p0  }
0x20: {  	[sflag:s8] =	ssyncset.s32 @!p0 $0xFFFFF086;
	s6 =	sadd.s32 @!p0 s3, s7;
	s7 =	simm.s32 @!p0 $0x108  }
0x21: {  	s3 =	sadd.s32 s3, s9;
	s6 =	sadd.s32 @!p0 $0x88, s6;
	s7 =	simm.s32 @p2 $0x1082  }
0x22: {  	[simem:s7], [sflag:s8] =	dma.local @!p0 [hbm:s6], $0xF7A  }
0x23: {  	s9 =	sor.u32 $0xD0000000, s2;
	s6 =	simm.s32 $0x108;
	_ =	swait.ge @!p0 [sflag:s8], $0x0  }
0x24: {  	s3 =	sadd.s32 $0x88, s3;
	s6 =	simm.s32 @!p1 $0x1082;
	[sflag:s4] =	ssyncset.s32 $0xFFFFF086  }
0x25: {  	[simem:s6], [sflag:s4] =	dma.local [hbm:s3], $0xF7A  }
0x26: {  	[smem:$0x3F9A] =	sst s1;
	(tag) =	ssettag s2;
	_ =	strace s9  }
0x27: {  	s1 =	sld [smem:$0x3FAA]  }
0x28: {  	s2 =	sld [smem:$0x3FAB]  }
0x29: {  	s4 =	sld [smem:$0x3FAD]  }
0x2a: {  	p0 =	seq.s32 s5, $0x0;
	s5 =	sld [smem:$0x3FAE]  }
0x2b: {  	s6 =	sld [smem:$0x3FAF]  }
0x2c: {  	s7 =	sld [smem:$0x3FB0]  }
0x2d: {  	s3 =	simm.s32 $0x108;
	s8 =	sld [smem:$0x3FB1]  }
0x2e: {  	s3 =	simm.s32 @!p0 $0x1082;
	s9 =	sld [smem:$0x3FB2]  }
0x2f: {  	lr =	sadd.s32 s0, s3;
	s0 =	sld [smem:$0x3FA9]  }
0x30: {  	s3 =	sld [smem:$0x3FAC]  }
0x31: {  	[smem:$0x3FB5] =	sst s10  }
0x32: {  	s10 =	sld [smem:$0x3FB3];
	_ =	sdelay $0x3  }
0x33: {  	p0 =	seq.s32 s10, $0x1;
	s10 =	sld [smem:$0x3FB5];
	_ =	sdelay $0x3  }
0x34: {  	[smem:$0x3FB5] =	sst s10  }
0x35: {  	s10 =	sld [smem:$0x3FB4];
	_ =	sdelay $0x3  }
0x36: {  	p1 =	seq.s32 s10, $0x1;
	s10 =	sld [smem:$0x3FB5];
	_ =	sdelay $0x3  }
0x37: {  	[smem:$0x3FB5] =	sst s10  }
0x38: {  	s10 =	sld [smem:$0x3FB6]  }
0x39: {  	_ = 	snop;
	(pc) =	sbr.ind lr, $3  }
0x3a: {  	_ = 	snop  }
0x3b: {  	_ = 	snop  }
0x3c: {  	p2 =	seq.s32 s10, $0x1;
	s10 =	sld [smem:$0x3FB5]  }
0x3d: {  	_ =	shalt  }
0x3e: {  	_ =	shalt  }
0x3f: {  	_ =	shalt  }
0x40: {  	_ =	shalt  }
0x41: {  	_ =	shalt  }
0x42: {  	_ =	shalt  }
0x43: {  	_ =	shalt  }
0x44: {  	_ =	shalt  }
0x45: {  	_ =	shalt  }
0x46: {  	_ =	shalt  }
0x47: {  	_ =	shalt  }
0x48: {  	_ =	shalt  }
0x49: {  	_ =	shalt  }
0x4a: {  	_ =	shalt  }
0x4b: {  	_ =	shalt  }
0x4c: {  	_ =	shalt  }
0x4d: {  	_ =	shalt  }
0x4e: {  	_ =	shalt  }
0x4f: {  	_ =	shalt  }
0x50: {  	_ =	shalt  }
0x51: {  	_ =	shalt  }
0x52: {  	_ =	shalt  }
0x53: {  	_ =	shalt  }
0x54: {  	_ =	shalt  }
0x55: {  	_ =	shalt  }
0x56: {  	_ =	shalt  }
0x57: {  	_ =	shalt  }
0x58: {  	_ =	shalt  }
0x59: {  	_ =	shalt  }
0x5a: {  	_ =	shalt  }
0x5b: {  	_ =	shalt  }
0x5c: {  	_ =	shalt  }
0x5d: {  	_ =	shalt  }
0x5e: {  	_ =	shalt  }
0x5f: {  	_ =	shalt  }
0x60: {  	_ =	shalt  }
0x61: {  	_ =	shalt  }
0x62: {  	_ =	shalt  }
0x63: {  	_ =	shalt  }
0x64: {  	_ =	shalt  }
0x65: {  	_ =	shalt  }
0x66: {  	_ =	shalt  }
0x67: {  	_ =	shalt  }
0x68: {  	_ =	shalt  }
0x69: {  	_ =	shalt  }
0x6a: {  	_ =	shalt  }
0x6b: {  	_ =	shalt  }
0x6c: {  	_ =	shalt  }
0x6d: {  	_ =	shalt  }
0x6e: {  	_ =	shalt  }
0x6f: {  	_ =	shalt  }
0x70: {  	_ =	shalt  }
0x71: {  	_ =	shalt  }
0x72: {  	_ =	shalt  }
0x73: {  	_ =	shalt  }
0x74: {  	_ =	shalt  }
0x75: {  	_ =	shalt  }
0x76: {  	_ =	shalt  }
0x77: {  	_ =	shalt  }
0x78: {  	_ =	shalt  }
0x79: {  	_ =	shalt  }
0x7a: {  	_ =	shalt  }
0x7b: {  	_ =	shalt  }
0x7c: {  	_ =	shalt  }
0x7d: {  	_ =	shalt  }
0x7e: {  	_ =	shalt  }
0x7f: {  	_ =	shalt  }
0x80: {  	_ =	shalt  }
0x81: {  	_ =	shalt  }
0x82: {  	_ =	shalt  }
0x83: {  	_ =	shalt  }
0x84: {  	_ =	shalt  }
0x85: {  	_ =	shalt  }
0x86: {  	_ =	shalt  }
0x87: {  	_ =	shalt  }
.Lfunc_end0:
.L_simem_size_0:
called_computation_lowered:
.L_overlay_start_0:
0x88: {  	s2 =	sld [smem:$0x3FD9]  }
0x89: {  	s3 =	sld [smem:$0x3FFE];
	_ =	sdelay $0x1  }
0x8a: {  	s1 =	srdreg.scid  }
0x8b: {  	s0 =	sand.u32 $0x1, s1  }
0x8c: {  	s14 =	sshll.u32 s0, $0xA;
	s2 =	sadd.s32 s3, s2  }
0x8d: {  	s2 =	sadd.s32 s2, s14  }
0x8e: {  	[smem:$0x3FC1] =	sst s2  }
0x8f: {  	_ = 	snop  }
0x90: {  	s2 =	sld [smem:$0x3FD0];
	_ =	sdelay $0x2  }
0x91: {  	s4 =	simm.s32 $0xA;
	s5 =	simm.s32 $0x10;
	s15 =	sld [smem:$0x3FC8]  }
0x92: {  	[smem:s5], [sflag:s4] =	dma.local [hbm:s2], $0x1  }
0x93: {  	_ =	swait.eq [sflag:s4], $0x1  }
0x94: {  	[sflag:s4] =	ssyncset.done $0x0  }
0x95: {  	[sflag:s4] =	ssyncadd.s32 $0xFFFFFFFF  }
0x96: {  	s16 =	sld [smem:$0x10];
	(tm) =	ssettm $0x1  }
0x97: {  	s17 =	sld [smem:$0x3FFB];
	_ =	sdelay $0x3  }
0x98: {  	_ =	strace s17  }
0x99: {  	s4 =	sld [smem:$0x3FFC];
	_ =	sdelay $0x3  }
0x9a: {  	_ =	strace s4  }
0x9b: {  	s4 =	sld [smem:$0x3FFD];
	_ =	sdelay $0x3  }
0x9c: {  	_ =	strace s4  }
0x9d: {  	_ =	strace $0x8FFFFFFF  }
0x9e: {  	s18 =	sld [smem:$0x3FDB];
	_ =	sdelay $0x1  }
0x9f: {  	s19 =	simm.s32 $_scs_section_size  }
0xa0: {  	s6 =	simm.s32 $_size__tile_overlayer_lowered;
	s7 =	simm.s32 $_tile_overlayer_lowered  }
0xa1: {  	s22 =	simm.s32 $0x1BFF;
	s21 =	sshll.u32 s7, $0x1;
	s4 =	sadd.s32 s19, s18  }
0xa2: {  	s8 =	simm.s32 $0x0;
	s20 =	sshll.u32 s6, $0x1;
	s6 =	sadd.s32 s21, s4  }
0xa3: {  	[timem:s8], [sflag:s22] =	dma.local [hbm:s6], s20  }
0xa4: {  	_ =	swait.ge [sflag:s22], s20  }
0xa5: {  	s5 =	ssub.s32 $0x0, s20;
	[sflag:s22] =	ssyncset.done $0x0  }
0xa6: {  	[sflag:s22] =	ssyncadd.s32 s5;
	_ =	sdelay $0x1  }
0xa7: {  	s23 =	simm.s32 $0x1B8B  }
0xa8: {  	_ =	swait.ge [sflag:s23], $0x1  }
0xa9: {  	[sflag:s23] =	ssyncset.done $0x0  }
0xaa: {  	s25 =	simm.s32 $0x1B8E;
	s24 =	sld [smem:$0x3FFE];
	[sflag:s23] =	ssyncadd.s32 $0xFFFFFFFF  }
0xab: {  	s26 =	simm.s32 $execute0_lowered;
	[smem:$0x3FD2] =	sst s25  }
0xac: {  	s6 =	sshll.u32 s26, $0x1;
	_ =	strace $0x80000046;
	[dreg:$0x1] =	wrdreg $0xFFFFFFFF  }
0xad: {  	s28 =	simm.s32 $_size_execute0_lowered;
	s4 =	sadd.s32 s4, s6;
	[dreg:$0x0] =	wrdreg $0x0  }
0xae: {  	s6 =	sshll.u32 s28, $0x1;
	[dreg:$0x2] =	wrdreg s4  }
0xaf: {  	[dreg:$0x3] =	wrdreg s6  }
0xb0: {  	[dreg:$0x4] =	wrdreg $0xC0  }
0xb1: {  	_ =	task [dreg:s8], $0x5FFFF  }
0xb2: {  	[dreg:$0x1] =	wrdreg $0xFFFFFFFF  }
0xb3: {  	[dreg:$0x0] =	wrdreg $0x60  }
0xb4: {  	[dreg:$0x2] =	wrdreg s15  }
0xb5: {  	[dreg:$0x3] =	wrdreg s24  }
0xb6: {  	[dreg:$0x4] =	wrdreg s16  }
0xb7: {  	[dreg:$0x5] =	wrdreg $0x9  }
0xb8: {  	_ =	task.clear_ibuf [dreg:s8], $0x6FFFF;
	_ =	strace $0x90000046  }
0xb9: {  	s29 =	simm.s32 $0x9;
	_ =	strace $0x80000048  }
0xba: {  	_ =	swait.ge [sflag:s29], $0x1  }
0xbb: {  	[sflag:s29] =	ssyncadd.s32 $0xFFFFFFFF  }
0xbc: {  	_ =	strace $0x90000048  }
0xbd: {  	_ =	sfence  }
0xbe: {  	s30 =	sld [smem:$0x0];
	_ =	sdelay $0x2  }
0xbf: {  	s31 =	sshll.u32 s1, $0xD;
	s1 =	sshrl.u32 s1, $0x2  }
0xc0: {  	s3 =	sand.u32 $0x4000, s31;
	s1 =	sadd.s32 s1, s30  }
0xc1: {  	s0 =	sor.u32 s3, s0;
	s1 =	sshll.u32 s1, $0x11  }
0xc2: {  	s0 =	sor.u32 s1, s0  }
0xc3: {  	s0 =	sadd.s32 $0x8F2B, s0  }
0xc4: {  	[sflag:s0] =	ssyncadd.remote.s32 $0x1  }
0xc5: {  	_ =	sfence.sel $0xFFFF  }
0xc6: {  	[dreg:$0x0] =	wrdreg $0xFFFFFFFF;
	(pc) =	sbr.abs _section_cstart, $3  }
0xc7: {  	[dreg:$0x1] =	wrdreg $0xFFFFFFFF  }
0xc8: {  	_ =	task.clear_ibuf [dreg:s8], $0x2FFFF;
	_ =	strace $0x9FFFFFFF  }
0xc9: {  	(tm) =	ssettm $0x7FFFFFFF  }
tec
execute0_lowered:
.L_overlay_start_1:
0x0: {  	(tag) =	ssettag $0x1  }
0x1: {  	s1 =	rddreg [dreg:$0x0]  }
0x2: {  	s0 =	srdreg.scid;
	s2 =	rddreg [dreg:$0x1]  }
0x3: {  	s3 =	stileid.u32;
	s5 =	rddreg [dreg:$0x2];
	s0 =	sand.u32 $0x1, s0  }
0x4: {  	s8 =	simm.s32 $0x2;
	s3 =	sshll.u32 s3, $0x7;
	s4 =	sshll.u32 s0, $0x6  }
0x5: {  	s29 =	simm.s32 $0x200;
	s0 =	ssub.s32 $0x2, s0;
	s4 =	sor.u32 s4, s3  }
0x6: {  	s3 =	simm.s32 $0x0;
	s28 =	sshrl.u32 s0, $0x1;
	s6 =	smul.u32 $0x300, s4  }
0x7: {  	[smem:$0x7FF] =	sst s3;
	s7 =	smul.u32 $0x1800, s4;
	s2 =	sadd.s32 s4, s2  }
0x8: {  	s0 =	ssub.s32 s0, s28;
	_ =	strace $0x80000047;
	s2 =	sadd.s32 $0x3800, s2  }
0x9: {  	s6 =	sadd.s32 s5, s6;
	s25 =	sshrl.u32 s7, $0x3;
	[dreg:$0x4] =	wrdreg s2  }
0xa: {  	[dreg:$0x8] =	wrdreg s6;
	s26 =	sadd.s32 $0x3000, s6;
	s4 =	sadd.s32 s5, s25  }
0xb: {  	v2 =	vlaneseq.u32;
	s7 =	smax.u32 s0, $0x1;
	[dreg:$0x5] =	wrdreg s26;
	s30 =	sadd.s32 $0x6000, s4  }
0xc: {  	vm0 =	vmmov $0xffff;
	v1 =	vshrl.u32 v2, $0x3;
	s5 =	sadd.s32 $0x100, s1;
	s31 =	sadd.s32 $0x9000, s4;
	[dreg:$0x6] =	wrdreg s30  }
0xd: {  	v0 =	vand.u32 $0x7, v2;
	v2 =	vor.u32 $0x8, v2;
	v1 =	vmul.u32 $0x8, v1;
	s6 =	sadd.s32 $0x200, s1;
	s4 =	simm.s32 $0x1;
	[dreg:$0x7] =	wrdreg s31  }
.LBB2_1:
0xe: {  	s10 =	rddreg [dreg:$0x4]  }
0xf: {  	[tilespmem:s3], [sflag:$0x2] =	stream.linear.gather [hbm4b:s10+s3], $0x200, $0x38;
	[tilespmem:$0x18200] =	vst v63  }
0x10: {  	_ =	swait.ge [sflag:s8], $0x200  }
0x11: {  	[sflag:s8] =	ssyncset.done $0x0  }
0x12: {  	[sflag:s8] =	ssyncadd.s32 $0xFFFFFE00  }
0x13: {  	v3 =	vld [tilespmem:$0x0];
	_ =	sdelay $0x4  }
0x14: {  	v4 =	vshrl.u32 v3, $0x3  }
0x15: {  	v4 =	vmul.u32 $0x30, v4  }
0x16: {  	v3 =	vand.u32 $0x7, v3  }
0x17: {  	v3 =	vor.u32 v3, v4  }
0x18: {  	v4 =	vperm.xlane v3, v0;
	_ =	sdelay $0x1  }
0x19: {  	v4 =	vadd.s32 v1, v4;
	_ =	sdelay $0x3  }
0x1a: {  	v3 =	vperm.xlane v3, v2  }
0x1b: {  	[tilespmem:s29], [sflag:$0x1] =	stream.indirect_vreg.gather [hbm4b:s1+s3], $0x80, v4, vm0, $0xb8;
	[tilespmem:$0x18200] =	vst v63  }
0x1c: {  	s0 =	simm.s32 $0xA00;
	v3 =	vadd.s32 v1, v3  }
0x1d: {  	[tilespmem:s0], [sflag:$0x1] =	stream.indirect_vreg.gather [hbm4b:s5+s3], $0x80, v4, vm0, $0xb8;
	[tilespmem:$0x18200] =	vst v63  }
0x1e: {  	s18 =	simm.s32 $0x1200  }
0x1f: {  	[tilespmem:s18], [sflag:$0x1] =	stream.indirect_vreg.gather [hbm4b:s6+s3], $0x80, v4, vm0, $0xb8;
	[tilespmem:$0x18200] =	vst v63  }
0x20: {  	s19 =	simm.s32 $0x1A00  }
0x21: {  	[tilespmem:s19], [sflag:$0x1] =	stream.indirect_vreg.gather [hbm4b:s1+s3], $0x80, v3, vm0, $0xb8;
	[tilespmem:$0x18200] =	vst v63  }
0x22: {  	s20 =	simm.s32 $0x2200  }
0x23: {  	[tilespmem:s20], [sflag:$0x1] =	stream.indirect_vreg.gather [hbm4b:s5+s3], $0x80, v3, vm0, $0xb8;
	[tilespmem:$0x18200] =	vst v63  }
0x24: {  	s21 =	simm.s32 $0x2A00  }
0x25: {  	[tilespmem:s21], [sflag:$0x1] =	stream.indirect_vreg.gather [hbm4b:s6+s3], $0x80, v3, vm0, $0xb8;
	[tilespmem:$0x18200] =	vst v63  }
0x26: {  	v3 =	vld [tilespmem:$0x10];
	_ =	sdelay $0x4  }
0x27: {  	v33 =	vshrl.u32 v3, $0x3  }
0x28: {  	v4 =	vmul.u32 $0x30, v33  }
0x29: {  	v3 =	vand.u32 $0x7, v3  }
0x2a: {  	v3 =	vor.u32 v3, v4  }
0x2b: {  	v4 =	vperm.xlane v3, v0;
	_ =	sdelay $0x1  }
0x2c: {  	v4 =	vadd.s32 v1, v4;
	_ =	sdelay $0x3  }
0x2d: {  	s22 =	simm.s32 $0x3200;
	v3 =	vperm.xlane v3, v2  }
0x2e: {  	[tilespmem:s22], [sflag:$0x1] =	stream.indirect_vreg.gather [hbm4b:s1+s3], $0x80, v4, vm0, $0xb8;
	[tilespmem:$0x18200] =	vst v63  }
0x2f: {  	s23 =	simm.s32 $0x3A00;
	v3 =	vadd.s32 v1, v3  }
0x30: {  	[tilespmem:s23], [sflag:$0x1] =	stream.indirect_vreg.gather [hbm4b:s5+s3], $0x80, v4, vm0, $0xb8;
	[tilespmem:$0x18200] =	vst v63  }
0x31: {  	s24 =	simm.s32 $0x4200  }
0x32: {  	[tilespmem:s24], [sflag:$0x1] =	stream.indirect_vreg.gather [hbm4b:s6+s3], $0x80, v4, vm0, $0xb8;
	[tilespmem:$0x18200] =	vst v63  }
0x33: {  	s25 =	simm.s32 $0x4A00  }
0x34: {  	[tilespmem:s25], [sflag:$0x1] =	stream.indirect_vreg.gather [hbm4b:s1+s3], $0x80, v3, vm0, $0xb8;
	[tilespmem:$0x18200] =	vst v63  }
0x35: {  	s26 =	simm.s32 $0x5200  }
0x36: {  	[tilespmem:s26], [sflag:$0x1] =	stream.indirect_vreg.gather [hbm4b:s5+s3], $0x80, v3, vm0, $0xb8;
	[tilespmem:$0x18200] =	vst v63  }
0x37: {  	s28 =	simm.s32 $0x5A00  }
0x38: {  	[tilespmem:s28], [sflag:$0x1] =	stream.indirect_vreg.gather [hbm4b:s6+s3], $0x80, v3, vm0, $0xb8;
	[tilespmem:$0x18200] =	vst v63  }
0x39: {  	v3 =	vld [tilespmem:$0x20];
	_ =	sdelay $0x4  }
0x3a: {  	v34 =	vshrl.u32 v3, $0x3  }
0x3b: {  	v4 =	vmul.u32 $0x30, v34  }
0x3c: {  	v3 =	vand.u32 $0x7, v3  }
0x3d: {  	v3 =	vor.u32 v3, v4  }
0x3e: {  	v4 =	vperm.xlane v3, v0;
	_ =	sdelay $0x1  }
0x3f: {  	v4 =	vadd.s32 v1, v4;
	_ =	sdelay $0x3  }
0x40: {  	s30 =	simm.s32 $0x6200;
	v3 =	vperm.xlane v3, v2  }
0x41: {  	[tilespmem:s30], [sflag:$0x1] =	stream.indirect_vreg.gather [hbm4b:s1+s3], $0x80, v4, vm0, $0xb8;
	[tilespmem:$0x18200] =	vst v63  }
0x42: {  	s31 =	simm.s32 $0x6A00;
	v3 =	vadd.s32 v1, v3  }
0x43: {  	[tilespmem:s31], [sflag:$0x1] =	stream.indirect_vreg.gather [hbm4b:s5+s3], $0x80, v4, vm0, $0xb8;
	[tilespmem:$0x18200] =	vst v63  }
0x44: {  	s2 =	simm.s32 $0x7200  }
0x45: {  	[tilespmem:s2], [sflag:$0x1] =	stream.indirect_vreg.gather [hbm4b:s6+s3], $0x80, v4, vm0, $0xb8;
	[tilespmem:$0x18200] =	vst v63  }
0x46: {  	s9 =	simm.s32 $0x7A00  }
0x47: {  	[tilespmem:s9], [sflag:$0x1] =	stream.indirect_vreg.gather [hbm4b:s1+s3], $0x80, v3, vm0, $0xb8;
	[tilespmem:$0x18200] =	vst v63  }
0x48: {  	s10 =	simm.s32 $0x8200  }
0x49: {  	[tilespmem:s10], [sflag:$0x1] =	stream.indirect_vreg.gather [hbm4b:s5+s3], $0x80, v3, vm0, $0xb8;
	[tilespmem:$0x18200] =	vst v63  }
0x4a: {  	s11 =	simm.s32 $0x8A00  }
0x4b: {  	[tilespmem:s11], [sflag:$0x1] =	stream.indirect_vreg.gather [hbm4b:s6+s3], $0x80, v3, vm0, $0xb8;
	[tilespmem:$0x18200] =	vst v63  }
0x4c: {  	v3 =	vld [tilespmem:$0x30];
	_ =	sdelay $0x4  }
0x4d: {  	v35 =	vshrl.u32 v3, $0x3  }
0x4e: {  	v4 =	vmul.u32 $0x30, v35  }
0x4f: {  	v3 =	vand.u32 $0x7, v3  }
0x50: {  	v3 =	vor.u32 v3, v4  }
0x51: {  	v4 =	vperm.xlane v3, v0;
	_ =	sdelay $0x1  }
0x52: {  	v4 =	vadd.s32 v1, v4;
	_ =	sdelay $0x3  }
0x53: {  	s12 =	simm.s32 $0x9200;
	v3 =	vperm.xlane v3, v2  }
0x54: {  	[tilespmem:s12], [sflag:$0x1] =	stream.indirect_vreg.gather [hbm4b:s1+s3], $0x80, v4, vm0, $0xb8;
	[tilespmem:$0x18200] =	vst v63  }
0x55: {  	s15 =	simm.s32 $0x9A00;
	v3 =	vadd.s32 v1, v3  }
0x56: {  	[tilespmem:s15], [sflag:$0x1] =	stream.indirect_vreg.gather [hbm4b:s5+s3], $0x80, v4, vm0, $0xb8;
	[tilespmem:$0x18200] =	vst v63  }
0x57: {  	s16 =	simm.s32 $0xA200  }
0x58: {  	[tilespmem:s16], [sflag:$0x1] =	stream.indirect_vreg.gather [hbm4b:s6+s3], $0x80, v4, vm0, $0xb8;
	[tilespmem:$0x18200] =	vst v63  }
0x59: {  	s19 =	simm.s32 $0xAA00  }
0x5a: {  	[tilespmem:s19], [sflag:$0x1] =	stream.indirect_vreg.gather [hbm4b:s1+s3], $0x80, v3, vm0, $0xb8;
	[tilespmem:$0x18200] =	vst v63  }
0x5b: {  	s20 =	simm.s32 $0xB200  }
0x5c: {  	[tilespmem:s20], [sflag:$0x1] =	stream.indirect_vreg.gather [hbm4b:s5+s3], $0x80, v3, vm0, $0xb8;
	[tilespmem:$0x18200] =	vst v63  }
0x5d: {  	s23 =	simm.s32 $0xBA00  }
0x5e: {  	[tilespmem:s23], [sflag:$0x1] =	stream.indirect_vreg.gather [hbm4b:s6+s3], $0x80, v3, vm0, $0xb8;
	[tilespmem:$0x18200] =	vst v63  }
0x5f: {  	v3 =	vld [tilespmem:$0x40];
	_ =	sdelay $0x4  }
0x60: {  	v36 =	vshrl.u32 v3, $0x3  }
0x61: {  	v4 =	vmul.u32 $0x30, v36  }
0x62: {  	v3 =	vand.u32 $0x7, v3  }
0x63: {  	v3 =	vor.u32 v3, v4  }
0x64: {  	v4 =	vperm.xlane v3, v0;
	_ =	sdelay $0x1  }
0x65: {  	v4 =	vadd.s32 v1, v4;
	_ =	sdelay $0x3  }
0x66: {  	s24 =	simm.s32 $0xC200;
	v3 =	vperm.xlane v3, v2  }
0x67: {  	[tilespmem:s24], [sflag:$0x1] =	stream.indirect_vreg.gather [hbm4b:s1+s3], $0x80, v4, vm0, $0xb8;
	[tilespmem:$0x18200] =	vst v63  }
0x68: {  	s25 =	simm.s32 $0xCA00;
	v3 =	vadd.s32 v1, v3  }
0x69: {  	[tilespmem:s25], [sflag:$0x1] =	stream.indirect_vreg.gather [hbm4b:s5+s3], $0x80, v4, vm0, $0xb8;
	[tilespmem:$0x18200] =	vst v63  }
0x6a: {  	s26 =	simm.s32 $0xD200  }
0x6b: {  	[tilespmem:s26], [sflag:$0x1] =	stream.indirect_vreg.gather [hbm4b:s6+s3], $0x80, v4, vm0, $0xb8;
	[tilespmem:$0x18200] =	vst v63  }
0x6c: {  	s28 =	simm.s32 $0xDA00  }
0x6d: {  	[tilespmem:s28], [sflag:$0x1] =	stream.indirect_vreg.gather [hbm4b:s1+s3], $0x80, v3, vm0, $0xb8;
	[tilespmem:$0x18200] =	vst v63  }
0x6e: {  	s30 =	simm.s32 $0xE200  }
0x6f: {  	[tilespmem:s30], [sflag:$0x1] =	stream.indirect_vreg.gather [hbm4b:s5+s3], $0x80, v3, vm0, $0xb8;
	[tilespmem:$0x18200] =	vst v63  }
0x70: {  	s31 =	simm.s32 $0xEA00  }
0x71: {  	[tilespmem:s31], [sflag:$0x1] =	stream.indirect_vreg.gather [hbm4b:s6+s3], $0x80, v3, vm0, $0xb8;
	[tilespmem:$0x18200] =	vst v63  }
0x72: {  	v3 =	vld [tilespmem:$0x50];
	_ =	sdelay $0x4  }
0x73: {  	v37 =	vshrl.u32 v3, $0x3  }
0x74: {  	v4 =	vmul.u32 $0x30, v37  }
0x75: {  	v3 =	vand.u32 $0x7, v3  }
0x76: {  	v3 =	vor.u32 v3, v4  }
0x77: {  	v4 =	vperm.xlane v3, v0;
	_ =	sdelay $0x1  }
0x78: {  	v4 =	vadd.s32 v1, v4;
	_ =	sdelay $0x3  }
0x79: {  	s0 =	simm.s32 $0xF200;
	v3 =	vperm.xlane v3, v2  }
0x7a: {  	[tilespmem:s0], [sflag:$0x1] =	stream.indirect_vreg.gather [hbm4b:s1+s3], $0x80, v4, vm0, $0xb8;
	[tilespmem:$0x18200] =	vst v63  }
0x7b: {  	s2 =	simm.s32 $0xFA00;
	v3 =	vadd.s32 v1, v3  }
0x7c: {  	[tilespmem:s2], [sflag:$0x1] =	stream.indirect_vreg.gather [hbm4b:s5+s3], $0x80, v4, vm0, $0xb8;
	[tilespmem:$0x18200] =	vst v63  }
0x7d: {  	s9 =	simm.s32 $0x10200  }
0x7e: {  	[tilespmem:s9], [sflag:$0x1] =	stream.indirect_vreg.gather [hbm4b:s6+s3], $0x80, v4, vm0, $0xb8;
	[tilespmem:$0x18200] =	vst v63  }
0x7f: {  	s11 =	simm.s32 $0x10A00  }
0x80: {  	[tilespmem:s11], [sflag:$0x1] =	stream.indirect_vreg.gather [hbm4b:s1+s3], $0x80, v3, vm0, $0xb8;
	[tilespmem:$0x18200] =	vst v63  }
0x81: {  	s12 =	simm.s32 $0x11200  }
0x82: {  	[tilespmem:s12], [sflag:$0x1] =	stream.indirect_vreg.gather [hbm4b:s5+s3], $0x80, v3, vm0, $0xb8;
	[tilespmem:$0x18200] =	vst v63  }
0x83: {  	s15 =	simm.s32 $0x11A00  }
0x84: {  	[tilespmem:s15], [sflag:$0x1] =	stream.indirect_vreg.gather [hbm4b:s6+s3], $0x80, v3, vm0, $0xb8;
	[tilespmem:$0x18200] =	vst v63  }
0x85: {  	v3 =	vld [tilespmem:$0x60];
	_ =	sdelay $0x4  }
0x86: {  	v38 =	vshrl.u32 v3, $0x3  }
0x87: {  	v4 =	vmul.u32 $0x30, v38  }
0x88: {  	v3 =	vand.u32 $0x7, v3  }
0x89: {  	v3 =	vor.u32 v3, v4  }
0x8a: {  	v4 =	vperm.xlane v3, v0;
	_ =	sdelay $0x1  }
0x8b: {  	v4 =	vadd.s32 v1, v4;
	_ =	sdelay $0x3  }
0x8c: {  	s16 =	simm.s32 $0x12200;
	v3 =	vperm.xlane v3, v2  }
0x8d: {  	[tilespmem:s16], [sflag:$0x1] =	stream.indirect_vreg.gather [hbm4b:s1+s3], $0x80, v4, vm0, $0xb8;
	[tilespmem:$0x18200] =	vst v63  }
0x8e: {  	s19 =	simm.s32 $0x12A00;
	v3 =	vadd.s32 v1, v3  }
0x8f: {  	[tilespmem:s19], [sflag:$0x1] =	stream.indirect_vreg.gather [hbm4b:s5+s3], $0x80, v4, vm0, $0xb8;
	[tilespmem:$0x18200] =	vst v63  }
0x90: {  	s20 =	simm.s32 $0x13200  }
0x91: {  	[tilespmem:s20], [sflag:$0x1] =	stream.indirect_vreg.gather [hbm4b:s6+s3], $0x80, v4, vm0, $0xb8;
	[tilespmem:$0x18200] =	vst v63  }
0x92: {  	s31 =	simm.s32 $0x13A00  }
0x93: {  	[tilespmem:s31], [sflag:$0x1] =	stream.indirect_vreg.gather [hbm4b:s1+s3], $0x80, v3, vm0, $0xb8;
	[tilespmem:$0x18200] =	vst v63  }
0x94: {  	s0 =	simm.s32 $0x14200  }
0x95: {  	[tilespmem:s0], [sflag:$0x1] =	stream.indirect_vreg.gather [hbm4b:s5+s3], $0x80, v3, vm0, $0xb8;
	[tilespmem:$0x18200] =	vst v63  }
0x96: {  	s2 =	simm.s32 $0x14A00  }
0x97: {  	[tilespmem:s2], [sflag:$0x1] =	stream.indirect_vreg.gather [hbm4b:s6+s3], $0x80, v3, vm0, $0xb8;
	[tilespmem:$0x18200] =	vst v63  }
0x98: {  	v3 =	vld [tilespmem:$0x70];
	_ =	sdelay $0x4  }
0x99: {  	v39 =	vshrl.u32 v3, $0x3  }
0x9a: {  	v4 =	vmul.u32 $0x30, v39  }
0x9b: {  	v3 =	vand.u32 $0x7, v3  }
0x9c: {  	v3 =	vor.u32 v3, v4  }
0x9d: {  	v4 =	vperm.xlane v3, v0;
	_ =	sdelay $0x1  }
0x9e: {  	v4 =	vadd.s32 v1, v4;
	_ =	sdelay $0x3  }
0x9f: {  	s9 =	simm.s32 $0x15200;
	v3 =	vperm.xlane v3, v2  }
0xa0: {  	[tilespmem:s9], [sflag:$0x1] =	stream.indirect_vreg.gather [hbm4b:s1+s3], $0x80, v4, vm0, $0xb8;
	[tilespmem:$0x18200] =	vst v63  }
0xa1: {  	s11 =	simm.s32 $0x15A00;
	v3 =	vadd.s32 v1, v3  }
0xa2: {  	[tilespmem:s11], [sflag:$0x1] =	stream.indirect_vreg.gather [hbm4b:s5+s3], $0x80, v4, vm0, $0xb8;
	[tilespmem:$0x18200] =	vst v63  }
0xa3: {  	s12 =	simm.s32 $0x16200  }
0xa4: {  	[tilespmem:s12], [sflag:$0x1] =	stream.indirect_vreg.gather [hbm4b:s6+s3], $0x80, v4, vm0, $0xb8;
	[tilespmem:$0x18200] =	vst v63  }
0xa5: {  	s15 =	simm.s32 $0x16A00  }
0xa6: {  	[tilespmem:s15], [sflag:$0x1] =	stream.indirect_vreg.gather [hbm4b:s1+s3], $0x80, v3, vm0, $0xb8;
	[tilespmem:$0x18200] =	vst v63  }
0xa7: {  	s16 =	simm.s32 $0x17200  }
0xa8: {  	[tilespmem:s16], [sflag:$0x1] =	stream.indirect_vreg.gather [hbm4b:s5+s3], $0x80, v3, vm0, $0xb8;
	[tilespmem:$0x18200] =	vst v63  }
0xa9: {  	s19 =	simm.s32 $0x17A00  }
0xaa: {  	[tilespmem:s19], [sflag:$0x1] =	stream.indirect_vreg.gather [hbm4b:s6+s3], $0x80, v3, vm0, $0xb8;
	[tilespmem:$0x18200] =	vst v63  }
0xab: {  	_ =	swait.ge [sflag:s4], $0x18000  }
0xac: {  	[sflag:s4] =	ssyncset.done $0x0  }
0xad: {  	s20 =	rddreg [dreg:$0x8];
	[sflag:s4] =	ssyncadd.s32 $0xFFFE8000  }
0xae: {  	[hbm4b:s20+s3] =	stream.linear.scatter [tilespmem:s29], [sflag:$0x2], $0x18000, $0x38;
	[tilespmem:$0x18200] =	vst v63  }
0xaf: {  	_ =	swait.ge [sflag:s8], $0x18000  }
0xb0: {  	[sflag:s8] =	ssyncset.done $0x0  }
0xb1: {  	[sflag:s8] =	ssyncadd.s32 $0xFFFE8000  }
0xb2: {  	v3 =	vld [tilespmem:$0x80];
	_ =	sdelay $0x4  }
0xb3: {  	v40 =	vshrl.u32 v3, $0x3  }
0xb4: {  	v4 =	vmul.u32 $0x30, v40  }
0xb5: {  	v3 =	vand.u32 $0x7, v3  }
0xb6: {  	v3 =	vor.u32 v3, v4  }
0xb7: {  	v4 =	vperm.xlane v3, v0;
	_ =	sdelay $0x1  }
0xb8: {  	v4 =	vadd.s32 v1, v4;
	_ =	sdelay $0x3  }
0xb9: {  	v3 =	vperm.xlane v3, v2  }
0xba: {  	[tilespmem:s29], [sflag:$0x1] =	stream.indirect_vreg.gather [hbm4b:s1+s3], $0x80, v4, vm0, $0xb8;
	[tilespmem:$0x18200] =	vst v63  }
0xbb: {  	s2 =	simm.s32 $0xA00;
	v3 =	vadd.s32 v1, v3  }
0xbc: {  	[tilespmem:s2], [sflag:$0x1] =	stream.indirect_vreg.gather [hbm4b:s5+s3], $0x80, v4, vm0, $0xb8;
	[tilespmem:$0x18200] =	vst v63  }
0xbd: {  	s9 =	simm.s32 $0x1200  }
0xbe: {  	[tilespmem:s9], [sflag:$0x1] =	stream.indirect_vreg.gather [hbm4b:s6+s3], $0x80, v4, vm0, $0xb8;
	[tilespmem:$0x18200] =	vst v63  }
0xbf: {  	s11 =	simm.s32 $0x1A00  }
0xc0: {  	[tilespmem:s11], [sflag:$0x1] =	stream.indirect_vreg.gather [hbm4b:s1+s3], $0x80, v3, vm0, $0xb8;
	[tilespmem:$0x18200] =	vst v63  }
0xc1: {  	s12 =	simm.s32 $0x2200  }
0xc2: {  	[tilespmem:s12], [sflag:$0x1] =	stream.indirect_vreg.gather [hbm4b:s5+s3], $0x80, v3, vm0, $0xb8;
	[tilespmem:$0x18200] =	vst v63  }
0xc3: {  	s13 =	simm.s32 $0x2A00  }
0xc4: {  	[tilespmem:s13], [sflag:$0x1] =	stream.indirect_vreg.gather [hbm4b:s6+s3], $0x80, v3, vm0, $0xb8;
	[tilespmem:$0x18200] =	vst v63  }
0xc5: {  	v3 =	vld [tilespmem:$0x90];
	_ =	sdelay $0x4  }
0xc6: {  	v41 =	vshrl.u32 v3, $0x3  }
0xc7: {  	v4 =	vmul.u32 $0x30, v41  }
0xc8: {  	v3 =	vand.u32 $0x7, v3  }
0xc9: {  	v3 =	vor.u32 v3, v4  }
0xca: {  	v4 =	vperm.xlane v3, v0;
	_ =	sdelay $0x1  }
0xcb: {  	v4 =	vadd.s32 v1, v4;
	_ =	sdelay $0x3  }
0xcc: {  	s14 =	simm.s32 $0x3200;
	v3 =	vperm.xlane v3, v2  }
0xcd: {  	[tilespmem:s14], [sflag:$0x1] =	stream.indirect_vreg.gather [hbm4b:s1+s3], $0x80, v4, vm0, $0xb8;
	[tilespmem:$0x18200] =	vst v63  }
0xce: {  	s13 =	simm.s32 $0x3A00;
	v3 =	vadd.s32 v1, v3  }
0xcf: {  	[tilespmem:s13], [sflag:$0x1] =	stream.indirect_vreg.gather [hbm4b:s5+s3], $0x80, v4, vm0, $0xb8;
	[tilespmem:$0x18200] =	vst v63  }
0xd0: {  	s14 =	simm.s32 $0x4200  }
0xd1: {  	[tilespmem:s14], [sflag:$0x1] =	stream.indirect_vreg.gather [hbm4b:s6+s3], $0x80, v4, vm0, $0xb8;
	[tilespmem:$0x18200] =	vst v63  }
0xd2: {  	s15 =	simm.s32 $0x4A00  }
0xd3: {  	[tilespmem:s15], [sflag:$0x1] =	stream.indirect_vreg.gather [hbm4b:s1+s3], $0x80, v3, vm0, $0xb8;
	[tilespmem:$0x18200] =	vst v63  }
0xd4: {  	s16 =	simm.s32 $0x5200  }
0xd5: {  	[tilespmem:s16], [sflag:$0x1] =	stream.indirect_vreg.gather [hbm4b:s5+s3], $0x80, v3, vm0, $0xb8;
	[tilespmem:$0x18200] =	vst v63  }
0xd6: {  	s17 =	simm.s32 $0x5A00  }
0xd7: {  	[tilespmem:s17], [sflag:$0x1] =	stream.indirect_vreg.gather [hbm4b:s6+s3], $0x80, v3, vm0, $0xb8;
	[tilespmem:$0x18200] =	vst v63  }
0xd8: {  	v3 =	vld [tilespmem:$0xA0];
	_ =	sdelay $0x4  }
0xd9: {  	v42 =	vshrl.u32 v3, $0x3  }
0xda: {  	v4 =	vmul.u32 $0x30, v42  }
0xdb: {  	v3 =	vand.u32 $0x7, v3  }
0xdc: {  	v3 =	vor.u32 v3, v4  }
0xdd: {  	v4 =	vperm.xlane v3, v0;
	_ =	sdelay $0x1  }
0xde: {  	v4 =	vadd.s32 v1, v4;
	_ =	sdelay $0x3  }
0xdf: {  	s18 =	simm.s32 $0x6200;
	v3 =	vperm.xlane v3, v2  }
0xe0: {  	[tilespmem:s18], [sflag:$0x1] =	stream.indirect_vreg.gather [hbm4b:s1+s3], $0x80, v4, vm0, $0xb8;
	[tilespmem:$0x18200] =	vst v63  }
0xe1: {  	s17 =	simm.s32 $0x6A00;
	v3 =	vadd.s32 v1, v3  }
0xe2: {  	[tilespmem:s17], [sflag:$0x1] =	stream.indirect_vreg.gather [hbm4b:s5+s3], $0x80, v4, vm0, $0xb8;
	[tilespmem:$0x18200] =	vst v63  }
0xe3: {  	s18 =	simm.s32 $0x7200  }
0xe4: {  	[tilespmem:s18], [sflag:$0x1] =	stream.indirect_vreg.gather [hbm4b:s6+s3], $0x80, v4, vm0, $0xb8;
	[tilespmem:$0x18200] =	vst v63  }
0xe5: {  	s19 =	simm.s32 $0x7A00  }
0xe6: {  	[tilespmem:s19], [sflag:$0x1] =	stream.indirect_vreg.gather [hbm4b:s1+s3], $0x80, v3, vm0, $0xb8;
	[tilespmem:$0x18200] =	vst v63  }
0xe7: {  	s20 =	simm.s32 $0x8200  }
0xe8: {  	[tilespmem:s20], [sflag:$0x1] =	stream.indirect_vreg.gather [hbm4b:s5+s3], $0x80, v3, vm0, $0xb8;
	[tilespmem:$0x18200] =	vst v63  }
0xe9: {  	s21 =	simm.s32 $0x8A00  }
0xea: {  	[tilespmem:s21], [sflag:$0x1] =	stream.indirect_vreg.gather [hbm4b:s6+s3], $0x80, v3, vm0, $0xb8;
	[tilespmem:$0x18200] =	vst v63  }
0xeb: {  	v3 =	vld [tilespmem:$0xB0];
	_ =	sdelay $0x4  }
0xec: {  	v43 =	vshrl.u32 v3, $0x3  }
0xed: {  	v4 =	vmul.u32 $0x30, v43  }
0xee: {  	v3 =	vand.u32 $0x7, v3  }
0xef: {  	v3 =	vor.u32 v3, v4  }
0xf0: {  	v4 =	vperm.xlane v3, v0;
	_ =	sdelay $0x1  }
0xf1: {  	v4 =	vadd.s32 v1, v4;
	_ =	sdelay $0x3  }
0xf2: {  	s22 =	simm.s32 $0x9200;
	v3 =	vperm.xlane v3, v2  }
0xf3: {  	[tilespmem:s22], [sflag:$0x1] =	stream.indirect_vreg.gather [hbm4b:s1+s3], $0x80, v4, vm0, $0xb8;
	[tilespmem:$0x18200] =	vst v63  }
0xf4: {  	s21 =	simm.s32 $0x9A00;
	v3 =	vadd.s32 v1, v3  }
0xf5: {  	[tilespmem:s21], [sflag:$0x1] =	stream.indirect_vreg.gather [hbm4b:s5+s3], $0x80, v4, vm0, $0xb8;
	[tilespmem:$0x18200] =	vst v63  }
0xf6: {  	s22 =	simm.s32 $0xA200  }
0xf7: {  	[tilespmem:s22], [sflag:$0x1] =	stream.indirect_vreg.gather [hbm4b:s6+s3], $0x80, v4, vm0, $0xb8;
	[tilespmem:$0x18200] =	vst v63  }
0xf8: {  	s0 =	simm.s32 $0xAA00  }
0xf9: {  	[tilespmem:s0], [sflag:$0x1] =	stream.indirect_vreg.gather [hbm4b:s1+s3], $0x80, v3, vm0, $0xb8;
	[tilespmem:$0x18200] =	vst v63  }
0xfa: {  	s10 =	simm.s32 $0xB200  }
0xfb: {  	[tilespmem:s10], [sflag:$0x1] =	stream.indirect_vreg.gather [hbm4b:s5+s3], $0x80, v3, vm0, $0xb8;
	[tilespmem:$0x18200] =	vst v63  }
0xfc: {  	s23 =	simm.s32 $0xBA00  }
0xfd: {  	[tilespmem:s23], [sflag:$0x1] =	stream.indirect_vreg.gather [hbm4b:s6+s3], $0x80, v3, vm0, $0xb8;
	[tilespmem:$0x18200] =	vst v63  }
0xfe: {  	v3 =	vld [tilespmem:$0xC0];
	_ =	sdelay $0x4  }
0xff: {  	v44 =	vshrl.u32 v3, $0x3  }
0x100: {  	v4 =	vmul.u32 $0x30, v44  }
0x101: {  	v3 =	vand.u32 $0x7, v3  }
0x102: {  	v3 =	vor.u32 v3, v4  }
0x103: {  	v4 =	vperm.xlane v3, v0;
	_ =	sdelay $0x1  }
0x104: {  	v4 =	vadd.s32 v1, v4;
	_ =	sdelay $0x3  }
0x105: {  	s24 =	simm.s32 $0xC200;
	v3 =	vperm.xlane v3, v2  }
0x106: {  	[tilespmem:s24], [sflag:$0x1] =	stream.indirect_vreg.gather [hbm4b:s1+s3], $0x80, v4, vm0, $0xb8;
	[tilespmem:$0x18200] =	vst v63  }
0x107: {  	s23 =	simm.s32 $0xCA00;
	v3 =	vadd.s32 v1, v3  }
0x108: {  	[tilespmem:s23], [sflag:$0x1] =	stream.indirect_vreg.gather [hbm4b:s5+s3], $0x80, v4, vm0, $0xb8;
	[tilespmem:$0x18200] =	vst v63  }
0x109: {  	s24 =	simm.s32 $0xD200  }
0x10a: {  	[tilespmem:s24], [sflag:$0x1] =	stream.indirect_vreg.gather [hbm4b:s6+s3], $0x80, v4, vm0, $0xb8;
	[tilespmem:$0x18200] =	vst v63  }
0x10b: {  	s10 =	simm.s32 $0xDA00  }
0x10c: {  	[tilespmem:s10], [sflag:$0x1] =	stream.indirect_vreg.gather [hbm4b:s1+s3], $0x80, v3, vm0, $0xb8;
	[tilespmem:$0x18200] =	vst v63  }
0x10d: {  	s10 =	simm.s32 $0xE200  }
0x10e: {  	[tilespmem:s10], [sflag:$0x1] =	stream.indirect_vreg.gather [hbm4b:s5+s3], $0x80, v3, vm0, $0xb8;
	[tilespmem:$0x18200] =	vst v63  }
0x10f: {  	s25 =	simm.s32 $0xEA00  }
0x110: {  	[tilespmem:s25], [sflag:$0x1] =	stream.indirect_vreg.gather [hbm4b:s6+s3], $0x80, v3, vm0, $0xb8;
	[tilespmem:$0x18200] =	vst v63  }
0x111: {  	v3 =	vld [tilespmem:$0xD0];
	_ =	sdelay $0x4  }
0x112: {  	v45 =	vshrl.u32 v3, $0x3  }
0x113: {  	v4 =	vmul.u32 $0x30, v45  }
0x114: {  	v3 =	vand.u32 $0x7, v3  }
0x115: {  	v3 =	vor.u32 v3, v4  }
0x116: {  	v4 =	vperm.xlane v3, v0;
	_ =	sdelay $0x1  }
0x117: {  	v4 =	vadd.s32 v1, v4;
	_ =	sdelay $0x3  }
0x118: {  	s26 =	simm.s32 $0xF200;
	v3 =	vperm.xlane v3, v2  }
0x119: {  	[tilespmem:s26], [sflag:$0x1] =	stream.indirect_vreg.gather [hbm4b:s1+s3], $0x80, v4, vm0, $0xb8;
	[tilespmem:$0x18200] =	vst v63  }
0x11a: {  	s25 =	simm.s32 $0xFA00;
	v3 =	vadd.s32 v1, v3  }
0x11b: {  	[tilespmem:s25], [sflag:$0x1] =	stream.indirect_vreg.gather [hbm4b:s5+s3], $0x80, v4, vm0, $0xb8;
	[tilespmem:$0x18200] =	vst v63  }
0x11c: {  	s26 =	simm.s32 $0x10200  }
0x11d: {  	[tilespmem:s26], [sflag:$0x1] =	stream.indirect_vreg.gather [hbm4b:s6+s3], $0x80, v4, vm0, $0xb8;
	[tilespmem:$0x18200] =	vst v63  }
0x11e: {  	s25 =	simm.s32 $0x10A00  }
0x11f: {  	[tilespmem:s25], [sflag:$0x1] =	stream.indirect_vreg.gather [hbm4b:s1+s3], $0x80, v3, vm0, $0xb8;
	[tilespmem:$0x18200] =	vst v63  }
0x120: {  	s26 =	simm.s32 $0x11200  }
0x121: {  	[tilespmem:s26], [sflag:$0x1] =	stream.indirect_vreg.gather [hbm4b:s5+s3], $0x80, v3, vm0, $0xb8;
	[tilespmem:$0x18200] =	vst v63  }
0x122: {  	s28 =	simm.s32 $0x11A00  }
0x123: {  	[tilespmem:s28], [sflag:$0x1] =	stream.indirect_vreg.gather [hbm4b:s6+s3], $0x80, v3, vm0, $0xb8;
	[tilespmem:$0x18200] =	vst v63  }
0x124: {  	v3 =	vld [tilespmem:$0xE0];
	_ =	sdelay $0x4  }
0x125: {  	v46 =	vshrl.u32 v3, $0x3  }
0x126: {  	v4 =	vmul.u32 $0x30, v46  }
0x127: {  	v3 =	vand.u32 $0x7, v3  }
0x128: {  	v3 =	vor.u32 v3, v4  }
0x129: {  	v4 =	vperm.xlane v3, v0;
	_ =	sdelay $0x1  }
0x12a: {  	v4 =	vadd.s32 v1, v4;
	_ =	sdelay $0x3  }
0x12b: {  	s30 =	simm.s32 $0x12200;
	v3 =	vperm.xlane v3, v2  }
0x12c: {  	[tilespmem:s30], [sflag:$0x1] =	stream.indirect_vreg.gather [hbm4b:s1+s3], $0x80, v4, vm0, $0xb8;
	[tilespmem:$0x18200] =	vst v63  }
0x12d: {  	s25 =	simm.s32 $0x12A00;
	v3 =	vadd.s32 v1, v3  }
0x12e: {  	[tilespmem:s25], [sflag:$0x1] =	stream.indirect_vreg.gather [hbm4b:s5+s3], $0x80, v4, vm0, $0xb8;
	[tilespmem:$0x18200] =	vst v63  }
0x12f: {  	s26 =	simm.s32 $0x13200  }
0x130: {  	[tilespmem:s26], [sflag:$0x1] =	stream.indirect_vreg.gather [hbm4b:s6+s3], $0x80, v4, vm0, $0xb8;
	[tilespmem:$0x18200] =	vst v63  }
0x131: {  	s28 =	simm.s32 $0x13A00  }
0x132: {  	[tilespmem:s28], [sflag:$0x1] =	stream.indirect_vreg.gather [hbm4b:s1+s3], $0x80, v3, vm0, $0xb8;
	[tilespmem:$0x18200] =	vst v63  }
0x133: {  	s30 =	simm.s32 $0x14200  }
0x134: {  	[tilespmem:s30], [sflag:$0x1] =	stream.indirect_vreg.gather [hbm4b:s5+s3], $0x80, v3, vm0, $0xb8;
	[tilespmem:$0x18200] =	vst v63  }
0x135: {  	s31 =	simm.s32 $0x14A00  }
0x136: {  	[tilespmem:s31], [sflag:$0x1] =	stream.indirect_vreg.gather [hbm4b:s6+s3], $0x80, v3, vm0, $0xb8;
	[tilespmem:$0x18200] =	vst v63  }
0x137: {  	v3 =	vld [tilespmem:$0xF0];
	_ =	sdelay $0x4  }
0x138: {  	v47 =	vshrl.u32 v3, $0x3  }
0x139: {  	v4 =	vmul.u32 $0x30, v47  }
0x13a: {  	v3 =	vand.u32 $0x7, v3  }
0x13b: {  	v3 =	vor.u32 v3, v4  }
0x13c: {  	v4 =	vperm.xlane v3, v0;
	_ =	sdelay $0x1  }
0x13d: {  	v4 =	vadd.s32 v1, v4;
	_ =	sdelay $0x3  }
0x13e: {  	s25 =	simm.s32 $0x15200;
	v3 =	vperm.xlane v3, v2  }
0x13f: {  	[tilespmem:s25], [sflag:$0x1] =	stream.indirect_vreg.gather [hbm4b:s1+s3], $0x80, v4, vm0, $0xb8;
	[tilespmem:$0x18200] =	vst v63  }
0x140: {  	s26 =	simm.s32 $0x15A00;
	v3 =	vadd.s32 v1, v3  }
0x141: {  	[tilespmem:s26], [sflag:$0x1] =	stream.indirect_vreg.gather [hbm4b:s5+s3], $0x80, v4, vm0, $0xb8;
	[tilespmem:$0x18200] =	vst v63  }
0x142: {  	s28 =	simm.s32 $0x16200  }
0x143: {  	[tilespmem:s28], [sflag:$0x1] =	stream.indirect_vreg.gather [hbm4b:s6+s3], $0x80, v4, vm0, $0xb8;
	[tilespmem:$0x18200] =	vst v63  }
0x144: {  	s30 =	simm.s32 $0x16A00  }
0x145: {  	[tilespmem:s30], [sflag:$0x1] =	stream.indirect_vreg.gather [hbm4b:s1+s3], $0x80, v3, vm0, $0xb8;
	[tilespmem:$0x18200] =	vst v63  }
0x146: {  	s31 =	simm.s32 $0x17200  }
0x147: {  	[tilespmem:s31], [sflag:$0x1] =	stream.indirect_vreg.gather [hbm4b:s5+s3], $0x80, v3, vm0, $0xb8;
	[tilespmem:$0x18200] =	vst v63  }
0x148: {  	s25 =	simm.s32 $0x17A00  }
0x149: {  	[tilespmem:s25], [sflag:$0x1] =	stream.indirect_vreg.gather [hbm4b:s6+s3], $0x80, v3, vm0, $0xb8;
	[tilespmem:$0x18200] =	vst v63  }
0x14a: {  	_ =	swait.ge [sflag:s4], $0x18000  }
0x14b: {  	[sflag:s4] =	ssyncset.done $0x0  }
0x14c: {  	s26 =	rddreg [dreg:$0x5];
	[sflag:s4] =	ssyncadd.s32 $0xFFFE8000  }
0x14d: {  	[hbm4b:s26+s3] =	stream.linear.scatter [tilespmem:s29], [sflag:$0x2], $0x18000, $0x38;
	[tilespmem:$0x18200] =	vst v63  }
0x14e: {  	_ =	swait.ge [sflag:s8], $0x18000  }
0x14f: {  	[sflag:s8] =	ssyncset.done $0x0  }
0x150: {  	[sflag:s8] =	ssyncadd.s32 $0xFFFE8000  }
0x151: {  	v3 =	vld [tilespmem:$0x100];
	_ =	sdelay $0x4  }
0x152: {  	v48 =	vshrl.u32 v3, $0x3  }
0x153: {  	v4 =	vmul.u32 $0x30, v48  }
0x154: {  	v3 =	vand.u32 $0x7, v3  }
0x155: {  	v3 =	vor.u32 v3, v4  }
0x156: {  	v4 =	vperm.xlane v3, v0;
	_ =	sdelay $0x1  }
0x157: {  	v4 =	vadd.s32 v1, v4;
	_ =	sdelay $0x3  }
0x158: {  	v3 =	vperm.xlane v3, v2  }
0x159: {  	[tilespmem:s29], [sflag:$0x1] =	stream.indirect_vreg.gather [hbm4b:s1+s3], $0x80, v4, vm0, $0xb8;
	[tilespmem:$0x18200] =	vst v63  }
0x15a: {  	v3 =	vadd.s32 v1, v3  }
0x15b: {  	[tilespmem:s2], [sflag:$0x1] =	stream.indirect_vreg.gather [hbm4b:s5+s3], $0x80, v4, vm0, $0xb8;
	[tilespmem:$0x18200] =	vst v63  }
0x15c: {  	_ = 	snop  }
0x15d: {  	[tilespmem:s9], [sflag:$0x1] =	stream.indirect_vreg.gather [hbm4b:s6+s3], $0x80, v4, vm0, $0xb8;
	[tilespmem:$0x18200] =	vst v63  }
0x15e: {  	_ = 	snop  }
0x15f: {  	[tilespmem:s11], [sflag:$0x1] =	stream.indirect_vreg.gather [hbm4b:s1+s3], $0x80, v3, vm0, $0xb8;
	[tilespmem:$0x18200] =	vst v63  }
0x160: {  	_ = 	snop  }
0x161: {  	[tilespmem:s12], [sflag:$0x1] =	stream.indirect_vreg.gather [hbm4b:s5+s3], $0x80, v3, vm0, $0xb8;
	[tilespmem:$0x18200] =	vst v63  }
0x162: {  	s28 =	simm.s32 $0x2A00  }
0x163: {  	[tilespmem:s28], [sflag:$0x1] =	stream.indirect_vreg.gather [hbm4b:s6+s3], $0x80, v3, vm0, $0xb8;
	[tilespmem:$0x18200] =	vst v63  }
0x164: {  	v3 =	vld [tilespmem:$0x110];
	_ =	sdelay $0x4  }
0x165: {  	v49 =	vshrl.u32 v3, $0x3  }
0x166: {  	v4 =	vmul.u32 $0x30, v49  }
0x167: {  	v3 =	vand.u32 $0x7, v3  }
0x168: {  	v3 =	vor.u32 v3, v4  }
0x169: {  	v4 =	vperm.xlane v3, v0;
	_ =	sdelay $0x1  }
0x16a: {  	v4 =	vadd.s32 v1, v4;
	_ =	sdelay $0x3  }
0x16b: {  	s30 =	simm.s32 $0x3200;
	v3 =	vperm.xlane v3, v2  }
0x16c: {  	[tilespmem:s30], [sflag:$0x1] =	stream.indirect_vreg.gather [hbm4b:s1+s3], $0x80, v4, vm0, $0xb8;
	[tilespmem:$0x18200] =	vst v63  }
0x16d: {  	v3 =	vadd.s32 v1, v3  }
0x16e: {  	[tilespmem:s13], [sflag:$0x1] =	stream.indirect_vreg.gather [hbm4b:s5+s3], $0x80, v4, vm0, $0xb8;
	[tilespmem:$0x18200] =	vst v63  }
0x16f: {  	_ = 	snop  }
0x170: {  	[tilespmem:s14], [sflag:$0x1] =	stream.indirect_vreg.gather [hbm4b:s6+s3], $0x80, v4, vm0, $0xb8;
	[tilespmem:$0x18200] =	vst v63  }
0x171: {  	_ = 	snop  }
0x172: {  	[tilespmem:s15], [sflag:$0x1] =	stream.indirect_vreg.gather [hbm4b:s1+s3], $0x80, v3, vm0, $0xb8;
	[tilespmem:$0x18200] =	vst v63  }
0x173: {  	_ = 	snop  }
0x174: {  	[tilespmem:s16], [sflag:$0x1] =	stream.indirect_vreg.gather [hbm4b:s5+s3], $0x80, v3, vm0, $0xb8;
	[tilespmem:$0x18200] =	vst v63  }
0x175: {  	s31 =	simm.s32 $0x5A00  }
0x176: {  	[tilespmem:s31], [sflag:$0x1] =	stream.indirect_vreg.gather [hbm4b:s6+s3], $0x80, v3, vm0, $0xb8;
	[tilespmem:$0x18200] =	vst v63  }
0x177: {  	v3 =	vld [tilespmem:$0x120];
	_ =	sdelay $0x4  }
0x178: {  	v50 =	vshrl.u32 v3, $0x3  }
0x179: {  	v4 =	vmul.u32 $0x30, v50  }
0x17a: {  	v3 =	vand.u32 $0x7, v3  }
0x17b: {  	v3 =	vor.u32 v3, v4  }
0x17c: {  	v4 =	vperm.xlane v3, v0;
	_ =	sdelay $0x1  }
0x17d: {  	v4 =	vadd.s32 v1, v4;
	_ =	sdelay $0x3  }
0x17e: {  	s25 =	simm.s32 $0x6200;
	v3 =	vperm.xlane v3, v2  }
0x17f: {  	[tilespmem:s25], [sflag:$0x1] =	stream.indirect_vreg.gather [hbm4b:s1+s3], $0x80, v4, vm0, $0xb8;
	[tilespmem:$0x18200] =	vst v63  }
0x180: {  	v3 =	vadd.s32 v1, v3  }
0x181: {  	[tilespmem:s17], [sflag:$0x1] =	stream.indirect_vreg.gather [hbm4b:s5+s3], $0x80, v4, vm0, $0xb8;
	[tilespmem:$0x18200] =	vst v63  }
0x182: {  	_ = 	snop  }
0x183: {  	[tilespmem:s18], [sflag:$0x1] =	stream.indirect_vreg.gather [hbm4b:s6+s3], $0x80, v4, vm0, $0xb8;
	[tilespmem:$0x18200] =	vst v63  }
0x184: {  	_ = 	snop  }
0x185: {  	[tilespmem:s19], [sflag:$0x1] =	stream.indirect_vreg.gather [hbm4b:s1+s3], $0x80, v3, vm0, $0xb8;
	[tilespmem:$0x18200] =	vst v63  }
0x186: {  	_ = 	snop  }
0x187: {  	[tilespmem:s20], [sflag:$0x1] =	stream.indirect_vreg.gather [hbm4b:s5+s3], $0x80, v3, vm0, $0xb8;
	[tilespmem:$0x18200] =	vst v63  }
0x188: {  	s26 =	simm.s32 $0x8A00  }
0x189: {  	[tilespmem:s26], [sflag:$0x1] =	stream.indirect_vreg.gather [hbm4b:s6+s3], $0x80, v3, vm0, $0xb8;
	[tilespmem:$0x18200] =	vst v63  }
0x18a: {  	v3 =	vld [tilespmem:$0x130];
	_ =	sdelay $0x4  }
0x18b: {  	v51 =	vshrl.u32 v3, $0x3  }
0x18c: {  	v4 =	vmul.u32 $0x30, v51  }
0x18d: {  	v3 =	vand.u32 $0x7, v3  }
0x18e: {  	v3 =	vor.u32 v3, v4  }
0x18f: {  	v4 =	vperm.xlane v3, v0;
	_ =	sdelay $0x1  }
0x190: {  	v4 =	vadd.s32 v1, v4;
	_ =	sdelay $0x3  }
0x191: {  	s28 =	simm.s32 $0x9200;
	v3 =	vperm.xlane v3, v2  }
0x192: {  	[tilespmem:s28], [sflag:$0x1] =	stream.indirect_vreg.gather [hbm4b:s1+s3], $0x80, v4, vm0, $0xb8;
	[tilespmem:$0x18200] =	vst v63  }
0x193: {  	v3 =	vadd.s32 v1, v3  }
0x194: {  	[tilespmem:s21], [sflag:$0x1] =	stream.indirect_vreg.gather [hbm4b:s5+s3], $0x80, v4, vm0, $0xb8;
	[tilespmem:$0x18200] =	vst v63  }
0x195: {  	_ = 	snop  }
0x196: {  	[tilespmem:s22], [sflag:$0x1] =	stream.indirect_vreg.gather [hbm4b:s6+s3], $0x80, v4, vm0, $0xb8;
	[tilespmem:$0x18200] =	vst v63  }
0x197: {  	_ = 	snop  }
0x198: {  	[tilespmem:s0], [sflag:$0x1] =	stream.indirect_vreg.gather [hbm4b:s1+s3], $0x80, v3, vm0, $0xb8;
	[tilespmem:$0x18200] =	vst v63  }
0x199: {  	s30 =	simm.s32 $0xB200  }
0x19a: {  	[tilespmem:s30], [sflag:$0x1] =	stream.indirect_vreg.gather [hbm4b:s5+s3], $0x80, v3, vm0, $0xb8;
	[tilespmem:$0x18200] =	vst v63  }
0x19b: {  	s31 =	simm.s32 $0xBA00  }
0x19c: {  	[tilespmem:s31], [sflag:$0x1] =	stream.indirect_vreg.gather [hbm4b:s6+s3], $0x80, v3, vm0, $0xb8;
	[tilespmem:$0x18200] =	vst v63  }
0x19d: {  	v3 =	vld [tilespmem:$0x140];
	_ =	sdelay $0x4  }
0x19e: {  	v52 =	vshrl.u32 v3, $0x3  }
0x19f: {  	v4 =	vmul.u32 $0x30, v52  }
0x1a0: {  	v3 =	vand.u32 $0x7, v3  }
0x1a1: {  	v3 =	vor.u32 v3, v4  }
0x1a2: {  	v4 =	vperm.xlane v3, v0;
	_ =	sdelay $0x1  }
0x1a3: {  	v4 =	vadd.s32 v1, v4;
	_ =	sdelay $0x3  }
0x1a4: {  	s25 =	simm.s32 $0xC200;
	v3 =	vperm.xlane v3, v2  }
0x1a5: {  	[tilespmem:s25], [sflag:$0x1] =	stream.indirect_vreg.gather [hbm4b:s1+s3], $0x80, v4, vm0, $0xb8;
	[tilespmem:$0x18200] =	vst v63  }
0x1a6: {  	s23 =	simm.s32 $0xCA00;
	v3 =	vadd.s32 v1, v3  }
0x1a7: {  	[tilespmem:s23], [sflag:$0x1] =	stream.indirect_vreg.gather [hbm4b:s5+s3], $0x80, v4, vm0, $0xb8;
	[tilespmem:$0x18200] =	vst v63  }
0x1a8: {  	s24 =	simm.s32 $0xD200  }
0x1a9: {  	[tilespmem:s24], [sflag:$0x1] =	stream.indirect_vreg.gather [hbm4b:s6+s3], $0x80, v4, vm0, $0xb8;
	[tilespmem:$0x18200] =	vst v63  }
0x1aa: {  	s26 =	simm.s32 $0xDA00  }
0x1ab: {  	[tilespmem:s26], [sflag:$0x1] =	stream.indirect_vreg.gather [hbm4b:s1+s3], $0x80, v3, vm0, $0xb8;
	[tilespmem:$0x18200] =	vst v63  }
0x1ac: {  	s28 =	simm.s32 $0xE200  }
0x1ad: {  	[tilespmem:s28], [sflag:$0x1] =	stream.indirect_vreg.gather [hbm4b:s5+s3], $0x80, v3, vm0, $0xb8;
	[tilespmem:$0x18200] =	vst v63  }
0x1ae: {  	s30 =	simm.s32 $0xEA00  }
0x1af: {  	[tilespmem:s30], [sflag:$0x1] =	stream.indirect_vreg.gather [hbm4b:s6+s3], $0x80, v3, vm0, $0xb8;
	[tilespmem:$0x18200] =	vst v63  }
0x1b0: {  	v3 =	vld [tilespmem:$0x150];
	_ =	sdelay $0x4  }
0x1b1: {  	v53 =	vshrl.u32 v3, $0x3  }
0x1b2: {  	v4 =	vmul.u32 $0x30, v53  }
0x1b3: {  	v3 =	vand.u32 $0x7, v3  }
0x1b4: {  	v3 =	vor.u32 v3, v4  }
0x1b5: {  	v4 =	vperm.xlane v3, v0;
	_ =	sdelay $0x1  }
0x1b6: {  	v4 =	vadd.s32 v1, v4;
	_ =	sdelay $0x3  }
0x1b7: {  	s31 =	simm.s32 $0xF200;
	v3 =	vperm.xlane v3, v2  }
0x1b8: {  	[tilespmem:s31], [sflag:$0x1] =	stream.indirect_vreg.gather [hbm4b:s1+s3], $0x80, v4, vm0, $0xb8;
	[tilespmem:$0x18200] =	vst v63  }
0x1b9: {  	s28 =	simm.s32 $0xFA00;
	v3 =	vadd.s32 v1, v3  }
0x1ba: {  	[tilespmem:s28], [sflag:$0x1] =	stream.indirect_vreg.gather [hbm4b:s5+s3], $0x80, v4, vm0, $0xb8;
	[tilespmem:$0x18200] =	vst v63  }
0x1bb: {  	s30 =	simm.s32 $0x10200  }
0x1bc: {  	[tilespmem:s30], [sflag:$0x1] =	stream.indirect_vreg.gather [hbm4b:s6+s3], $0x80, v4, vm0, $0xb8;
	[tilespmem:$0x18200] =	vst v63  }
0x1bd: {  	s31 =	simm.s32 $0x10A00  }
0x1be: {  	[tilespmem:s31], [sflag:$0x1] =	stream.indirect_vreg.gather [hbm4b:s1+s3], $0x80, v3, vm0, $0xb8;
	[tilespmem:$0x18200] =	vst v63  }
0x1bf: {  	s10 =	simm.s32 $0x11200  }
0x1c0: {  	[tilespmem:s10], [sflag:$0x1] =	stream.indirect_vreg.gather [hbm4b:s5+s3], $0x80, v3, vm0, $0xb8;
	[tilespmem:$0x18200] =	vst v63  }
0x1c1: {  	s10 =	simm.s32 $0x11A00  }
0x1c2: {  	[tilespmem:s10], [sflag:$0x1] =	stream.indirect_vreg.gather [hbm4b:s6+s3], $0x80, v3, vm0, $0xb8;
	[tilespmem:$0x18200] =	vst v63  }
0x1c3: {  	v3 =	vld [tilespmem:$0x160];
	_ =	sdelay $0x4  }
0x1c4: {  	v54 =	vshrl.u32 v3, $0x3  }
0x1c5: {  	v4 =	vmul.u32 $0x30, v54  }
0x1c6: {  	v3 =	vand.u32 $0x7, v3  }
0x1c7: {  	v3 =	vor.u32 v3, v4  }
0x1c8: {  	v4 =	vperm.xlane v3, v0;
	_ =	sdelay $0x1  }
0x1c9: {  	v4 =	vadd.s32 v1, v4;
	_ =	sdelay $0x3  }
0x1ca: {  	s10 =	simm.s32 $0x12200;
	v3 =	vperm.xlane v3, v2  }
0x1cb: {  	[tilespmem:s10], [sflag:$0x1] =	stream.indirect_vreg.gather [hbm4b:s1+s3], $0x80, v4, vm0, $0xb8;
	[tilespmem:$0x18200] =	vst v63  }
0x1cc: {  	v3 =	vadd.s32 v1, v3;
	s10 =	simm.s32 $0x12A00  }
0x1cd: {  	[tilespmem:s10], [sflag:$0x1] =	stream.indirect_vreg.gather [hbm4b:s5+s3], $0x80, v4, vm0, $0xb8;
	[tilespmem:$0x18200] =	vst v63  }
0x1ce: {  	s10 =	simm.s32 $0x13200  }
0x1cf: {  	[tilespmem:s10], [sflag:$0x1] =	stream.indirect_vreg.gather [hbm4b:s6+s3], $0x80, v4, vm0, $0xb8;
	[tilespmem:$0x18200] =	vst v63  }
0x1d0: {  	s10 =	simm.s32 $0x13A00  }
0x1d1: {  	[tilespmem:s10], [sflag:$0x1] =	stream.indirect_vreg.gather [hbm4b:s1+s3], $0x80, v3, vm0, $0xb8;
	[tilespmem:$0x18200] =	vst v63  }
0x1d2: {  	s10 =	simm.s32 $0x14200  }
0x1d3: {  	[tilespmem:s10], [sflag:$0x1] =	stream.indirect_vreg.gather [hbm4b:s5+s3], $0x80, v3, vm0, $0xb8;
	[tilespmem:$0x18200] =	vst v63  }
0x1d4: {  	s10 =	simm.s32 $0x14A00  }
0x1d5: {  	[tilespmem:s10], [sflag:$0x1] =	stream.indirect_vreg.gather [hbm4b:s6+s3], $0x80, v3, vm0, $0xb8;
	[tilespmem:$0x18200] =	vst v63  }
0x1d6: {  	v3 =	vld [tilespmem:$0x170];
	_ =	sdelay $0x4  }
0x1d7: {  	v55 =	vshrl.u32 v3, $0x3  }
0x1d8: {  	v4 =	vmul.u32 $0x30, v55  }
0x1d9: {  	v3 =	vand.u32 $0x7, v3  }
0x1da: {  	v3 =	vor.u32 v3, v4  }
0x1db: {  	v4 =	vperm.xlane v3, v0;
	_ =	sdelay $0x1  }
0x1dc: {  	v4 =	vadd.s32 v1, v4;
	_ =	sdelay $0x3  }
0x1dd: {  	s10 =	simm.s32 $0x15200;
	v3 =	vperm.xlane v3, v2  }
0x1de: {  	[tilespmem:s10], [sflag:$0x1] =	stream.indirect_vreg.gather [hbm4b:s1+s3], $0x80, v4, vm0, $0xb8;
	[tilespmem:$0x18200] =	vst v63  }
0x1df: {  	v3 =	vadd.s32 v1, v3;
	s10 =	simm.s32 $0x15A00  }
0x1e0: {  	[tilespmem:s10], [sflag:$0x1] =	stream.indirect_vreg.gather [hbm4b:s5+s3], $0x80, v4, vm0, $0xb8;
	[tilespmem:$0x18200] =	vst v63  }
0x1e1: {  	s10 =	simm.s32 $0x16200  }
0x1e2: {  	[tilespmem:s10], [sflag:$0x1] =	stream.indirect_vreg.gather [hbm4b:s6+s3], $0x80, v4, vm0, $0xb8;
	[tilespmem:$0x18200] =	vst v63  }
0x1e3: {  	s10 =	simm.s32 $0x16A00  }
0x1e4: {  	[tilespmem:s10], [sflag:$0x1] =	stream.indirect_vreg.gather [hbm4b:s1+s3], $0x80, v3, vm0, $0xb8;
	[tilespmem:$0x18200] =	vst v63  }
0x1e5: {  	s10 =	simm.s32 $0x17200  }
0x1e6: {  	[tilespmem:s10], [sflag:$0x1] =	stream.indirect_vreg.gather [hbm4b:s5+s3], $0x80, v3, vm0, $0xb8;
	[tilespmem:$0x18200] =	vst v63  }
0x1e7: {  	s10 =	simm.s32 $0x17A00  }
0x1e8: {  	[tilespmem:s10], [sflag:$0x1] =	stream.indirect_vreg.gather [hbm4b:s6+s3], $0x80, v3, vm0, $0xb8;
	[tilespmem:$0x18200] =	vst v63  }
0x1e9: {  	_ =	swait.ge [sflag:s4], $0x18000  }
0x1ea: {  	[sflag:s4] =	ssyncset.done $0x0  }
0x1eb: {  	s10 =	rddreg [dreg:$0x6];
	[sflag:s4] =	ssyncadd.s32 $0xFFFE8000  }
0x1ec: {  	[hbm4b:s10+s3] =	stream.linear.scatter [tilespmem:s29], [sflag:$0x2], $0x18000, $0x38;
	[tilespmem:$0x18200] =	vst v63  }
0x1ed: {  	_ =	swait.ge [sflag:s8], $0x18000  }
0x1ee: {  	[sflag:s8] =	ssyncset.done $0x0  }
0x1ef: {  	[sflag:s8] =	ssyncadd.s32 $0xFFFE8000  }
0x1f0: {  	v3 =	vld [tilespmem:$0x180];
	_ =	sdelay $0x4  }
0x1f1: {  	v56 =	vshrl.u32 v3, $0x3  }
0x1f2: {  	v4 =	vmul.u32 $0x30, v56  }
0x1f3: {  	v3 =	vand.u32 $0x7, v3  }
0x1f4: {  	v3 =	vor.u32 v3, v4  }
0x1f5: {  	v4 =	vperm.xlane v3, v0;
	_ =	sdelay $0x1  }
0x1f6: {  	v4 =	vadd.s32 v1, v4;
	_ =	sdelay $0x3  }
0x1f7: {  	v3 =	vperm.xlane v3, v2  }
0x1f8: {  	[tilespmem:s29], [sflag:$0x1] =	stream.indirect_vreg.gather [hbm4b:s1+s3], $0x80, v4, vm0, $0xb8;
	[tilespmem:$0x18200] =	vst v63  }
0x1f9: {  	s2 =	simm.s32 $0xA00;
	v3 =	vadd.s32 v1, v3  }
0x1fa: {  	[tilespmem:s2], [sflag:$0x1] =	stream.indirect_vreg.gather [hbm4b:s5+s3], $0x80, v4, vm0, $0xb8;
	[tilespmem:$0x18200] =	vst v63  }
0x1fb: {  	s9 =	simm.s32 $0x1200  }
0x1fc: {  	[tilespmem:s9], [sflag:$0x1] =	stream.indirect_vreg.gather [hbm4b:s6+s3], $0x80, v4, vm0, $0xb8;
	[tilespmem:$0x18200] =	vst v63  }
0x1fd: {  	s11 =	simm.s32 $0x1A00  }
0x1fe: {  	[tilespmem:s11], [sflag:$0x1] =	stream.indirect_vreg.gather [hbm4b:s1+s3], $0x80, v3, vm0, $0xb8;
	[tilespmem:$0x18200] =	vst v63  }
0x1ff: {  	s12 =	simm.s32 $0x2200  }
0x200: {  	[tilespmem:s12], [sflag:$0x1] =	stream.indirect_vreg.gather [hbm4b:s5+s3], $0x80, v3, vm0, $0xb8;
	[tilespmem:$0x18200] =	vst v63  }
0x201: {  	s11 =	simm.s32 $0x2A00  }
0x202: {  	[tilespmem:s11], [sflag:$0x1] =	stream.indirect_vreg.gather [hbm4b:s6+s3], $0x80, v3, vm0, $0xb8;
	[tilespmem:$0x18200] =	vst v63  }
0x203: {  	v3 =	vld [tilespmem:$0x190];
	_ =	sdelay $0x4  }
0x204: {  	v57 =	vshrl.u32 v3, $0x3  }
0x205: {  	v4 =	vmul.u32 $0x30, v57  }
0x206: {  	v3 =	vand.u32 $0x7, v3  }
0x207: {  	v3 =	vor.u32 v3, v4  }
0x208: {  	v4 =	vperm.xlane v3, v0;
	_ =	sdelay $0x1  }
0x209: {  	v4 =	vadd.s32 v1, v4;
	_ =	sdelay $0x3  }
0x20a: {  	s12 =	simm.s32 $0x3200;
	v3 =	vperm.xlane v3, v2  }
0x20b: {  	[tilespmem:s12], [sflag:$0x1] =	stream.indirect_vreg.gather [hbm4b:s1+s3], $0x80, v4, vm0, $0xb8;
	[tilespmem:$0x18200] =	vst v63  }
0x20c: {  	s13 =	simm.s32 $0x3A00;
	v3 =	vadd.s32 v1, v3  }
0x20d: {  	[tilespmem:s13], [sflag:$0x1] =	stream.indirect_vreg.gather [hbm4b:s5+s3], $0x80, v4, vm0, $0xb8;
	[tilespmem:$0x18200] =	vst v63  }
0x20e: {  	s14 =	simm.s32 $0x4200  }
0x20f: {  	[tilespmem:s14], [sflag:$0x1] =	stream.indirect_vreg.gather [hbm4b:s6+s3], $0x80, v4, vm0, $0xb8;
	[tilespmem:$0x18200] =	vst v63  }
0x210: {  	s15 =	simm.s32 $0x4A00  }
0x211: {  	[tilespmem:s15], [sflag:$0x1] =	stream.indirect_vreg.gather [hbm4b:s1+s3], $0x80, v3, vm0, $0xb8;
	[tilespmem:$0x18200] =	vst v63  }
0x212: {  	s16 =	simm.s32 $0x5200  }
0x213: {  	[tilespmem:s16], [sflag:$0x1] =	stream.indirect_vreg.gather [hbm4b:s5+s3], $0x80, v3, vm0, $0xb8;
	[tilespmem:$0x18200] =	vst v63  }
0x214: {  	s15 =	simm.s32 $0x5A00  }
0x215: {  	[tilespmem:s15], [sflag:$0x1] =	stream.indirect_vreg.gather [hbm4b:s6+s3], $0x80, v3, vm0, $0xb8;
	[tilespmem:$0x18200] =	vst v63  }
0x216: {  	v3 =	vld [tilespmem:$0x1A0];
	_ =	sdelay $0x4  }
0x217: {  	v58 =	vshrl.u32 v3, $0x3  }
0x218: {  	v4 =	vmul.u32 $0x30, v58  }
0x219: {  	v3 =	vand.u32 $0x7, v3  }
0x21a: {  	v3 =	vor.u32 v3, v4  }
0x21b: {  	v4 =	vperm.xlane v3, v0;
	_ =	sdelay $0x1  }
0x21c: {  	v4 =	vadd.s32 v1, v4;
	_ =	sdelay $0x3  }
0x21d: {  	s16 =	simm.s32 $0x6200;
	v3 =	vperm.xlane v3, v2  }
0x21e: {  	[tilespmem:s16], [sflag:$0x1] =	stream.indirect_vreg.gather [hbm4b:s1+s3], $0x80, v4, vm0, $0xb8;
	[tilespmem:$0x18200] =	vst v63  }
0x21f: {  	s17 =	simm.s32 $0x6A00;
	v3 =	vadd.s32 v1, v3  }
0x220: {  	[tilespmem:s17], [sflag:$0x1] =	stream.indirect_vreg.gather [hbm4b:s5+s3], $0x80, v4, vm0, $0xb8;
	[tilespmem:$0x18200] =	vst v63  }
0x221: {  	s18 =	simm.s32 $0x7200  }
0x222: {  	[tilespmem:s18], [sflag:$0x1] =	stream.indirect_vreg.gather [hbm4b:s6+s3], $0x80, v4, vm0, $0xb8;
	[tilespmem:$0x18200] =	vst v63  }
0x223: {  	s19 =	simm.s32 $0x7A00  }
0x224: {  	[tilespmem:s19], [sflag:$0x1] =	stream.indirect_vreg.gather [hbm4b:s1+s3], $0x80, v3, vm0, $0xb8;
	[tilespmem:$0x18200] =	vst v63  }
0x225: {  	s20 =	simm.s32 $0x8200  }
0x226: {  	[tilespmem:s20], [sflag:$0x1] =	stream.indirect_vreg.gather [hbm4b:s5+s3], $0x80, v3, vm0, $0xb8;
	[tilespmem:$0x18200] =	vst v63  }
0x227: {  	s20 =	simm.s32 $0x8A00  }
0x228: {  	[tilespmem:s20], [sflag:$0x1] =	stream.indirect_vreg.gather [hbm4b:s6+s3], $0x80, v3, vm0, $0xb8;
	[tilespmem:$0x18200] =	vst v63  }
0x229: {  	v3 =	vld [tilespmem:$0x1B0];
	_ =	sdelay $0x4  }
0x22a: {  	v59 =	vshrl.u32 v3, $0x3  }
0x22b: {  	v4 =	vmul.u32 $0x30, v59  }
0x22c: {  	v3 =	vand.u32 $0x7, v3  }
0x22d: {  	v3 =	vor.u32 v3, v4  }
0x22e: {  	v4 =	vperm.xlane v3, v0;
	_ =	sdelay $0x1  }
0x22f: {  	v4 =	vadd.s32 v1, v4;
	_ =	sdelay $0x3  }
0x230: {  	s9 =	simm.s32 $0x9200;
	v3 =	vperm.xlane v3, v2  }
0x231: {  	[tilespmem:s9], [sflag:$0x1] =	stream.indirect_vreg.gather [hbm4b:s1+s3], $0x80, v4, vm0, $0xb8;
	[tilespmem:$0x18200] =	vst v63  }
0x232: {  	s21 =	simm.s32 $0x9A00;
	v3 =	vadd.s32 v1, v3  }
0x233: {  	[tilespmem:s21], [sflag:$0x1] =	stream.indirect_vreg.gather [hbm4b:s5+s3], $0x80, v4, vm0, $0xb8;
	[tilespmem:$0x18200] =	vst v63  }
0x234: {  	s22 =	simm.s32 $0xA200  }
0x235: {  	[tilespmem:s22], [sflag:$0x1] =	stream.indirect_vreg.gather [hbm4b:s6+s3], $0x80, v4, vm0, $0xb8;
	[tilespmem:$0x18200] =	vst v63  }
0x236: {  	s0 =	simm.s32 $0xAA00  }
0x237: {  	[tilespmem:s0], [sflag:$0x1] =	stream.indirect_vreg.gather [hbm4b:s1+s3], $0x80, v3, vm0, $0xb8;
	[tilespmem:$0x18200] =	vst v63  }
0x238: {  	s10 =	simm.s32 $0xB200  }
0x239: {  	[tilespmem:s10], [sflag:$0x1] =	stream.indirect_vreg.gather [hbm4b:s5+s3], $0x80, v3, vm0, $0xb8;
	[tilespmem:$0x18200] =	vst v63  }
0x23a: {  	s11 =	simm.s32 $0xBA00  }
0x23b: {  	[tilespmem:s11], [sflag:$0x1] =	stream.indirect_vreg.gather [hbm4b:s6+s3], $0x80, v3, vm0, $0xb8;
	[tilespmem:$0x18200] =	vst v63  }
0x23c: {  	v3 =	vld [tilespmem:$0x1C0];
	_ =	sdelay $0x4  }
0x23d: {  	v60 =	vshrl.u32 v3, $0x3  }
0x23e: {  	v4 =	vmul.u32 $0x30, v60  }
0x23f: {  	v3 =	vand.u32 $0x7, v3  }
0x240: {  	v3 =	vor.u32 v3, v4  }
0x241: {  	v4 =	vperm.xlane v3, v0;
	_ =	sdelay $0x1  }
0x242: {  	v4 =	vadd.s32 v1, v4;
	_ =	sdelay $0x3  }
0x243: {  	s12 =	simm.s32 $0xC200;
	v3 =	vperm.xlane v3, v2  }
0x244: {  	[tilespmem:s12], [sflag:$0x1] =	stream.indirect_vreg.gather [hbm4b:s1+s3], $0x80, v4, vm0, $0xb8;
	[tilespmem:$0x18200] =	vst v63  }
0x245: {  	s23 =	simm.s32 $0xCA00;
	v3 =	vadd.s32 v1, v3  }
0x246: {  	[tilespmem:s23], [sflag:$0x1] =	stream.indirect_vreg.gather [hbm4b:s5+s3], $0x80, v4, vm0, $0xb8;
	[tilespmem:$0x18200] =	vst v63  }
0x247: {  	s24 =	simm.s32 $0xD200  }
0x248: {  	[tilespmem:s24], [sflag:$0x1] =	stream.indirect_vreg.gather [hbm4b:s6+s3], $0x80, v4, vm0, $0xb8;
	[tilespmem:$0x18200] =	vst v63  }
0x249: {  	s25 =	simm.s32 $0xDA00  }
0x24a: {  	[tilespmem:s25], [sflag:$0x1] =	stream.indirect_vreg.gather [hbm4b:s1+s3], $0x80, v3, vm0, $0xb8;
	[tilespmem:$0x18200] =	vst v63  }
0x24b: {  	s26 =	simm.s32 $0xE200  }
0x24c: {  	[tilespmem:s26], [sflag:$0x1] =	stream.indirect_vreg.gather [hbm4b:s5+s3], $0x80, v3, vm0, $0xb8;
	[tilespmem:$0x18200] =	vst v63  }
0x24d: {  	s13 =	simm.s32 $0xEA00  }
0x24e: {  	[tilespmem:s13], [sflag:$0x1] =	stream.indirect_vreg.gather [hbm4b:s6+s3], $0x80, v3, vm0, $0xb8;
	[tilespmem:$0x18200] =	vst v63  }
0x24f: {  	v3 =	vld [tilespmem:$0x1D0];
	_ =	sdelay $0x4  }
0x250: {  	v61 =	vshrl.u32 v3, $0x3  }
0x251: {  	v4 =	vmul.u32 $0x30, v61  }
0x252: {  	v3 =	vand.u32 $0x7, v3  }
0x253: {  	v3 =	vor.u32 v3, v4  }
0x254: {  	v4 =	vperm.xlane v3, v0;
	_ =	sdelay $0x1  }
0x255: {  	v4 =	vadd.s32 v1, v4;
	_ =	sdelay $0x3  }
0x256: {  	s14 =	simm.s32 $0xF200;
	v3 =	vperm.xlane v3, v2  }
0x257: {  	[tilespmem:s14], [sflag:$0x1] =	stream.indirect_vreg.gather [hbm4b:s1+s3], $0x80, v4, vm0, $0xb8;
	[tilespmem:$0x18200] =	vst v63  }
0x258: {  	s28 =	simm.s32 $0xFA00;
	v3 =	vadd.s32 v1, v3  }
0x259: {  	[tilespmem:s28], [sflag:$0x1] =	stream.indirect_vreg.gather [hbm4b:s5+s3], $0x80, v4, vm0, $0xb8;
	[tilespmem:$0x18200] =	vst v63  }
0x25a: {  	s30 =	simm.s32 $0x10200  }
0x25b: {  	[tilespmem:s30], [sflag:$0x1] =	stream.indirect_vreg.gather [hbm4b:s6+s3], $0x80, v4, vm0, $0xb8;
	[tilespmem:$0x18200] =	vst v63  }
0x25c: {  	s31 =	simm.s32 $0x10A00  }
0x25d: {  	[tilespmem:s31], [sflag:$0x1] =	stream.indirect_vreg.gather [hbm4b:s1+s3], $0x80, v3, vm0, $0xb8;
	[tilespmem:$0x18200] =	vst v63  }
0x25e: {  	s15 =	simm.s32 $0x11200  }
0x25f: {  	[tilespmem:s15], [sflag:$0x1] =	stream.indirect_vreg.gather [hbm4b:s5+s3], $0x80, v3, vm0, $0xb8;
	[tilespmem:$0x18200] =	vst v63  }
0x260: {  	s16 =	simm.s32 $0x11A00  }
0x261: {  	[tilespmem:s16], [sflag:$0x1] =	stream.indirect_vreg.gather [hbm4b:s6+s3], $0x80, v3, vm0, $0xb8;
	[tilespmem:$0x18200] =	vst v63  }
0x262: {  	v3 =	vld [tilespmem:$0x1E0];
	_ =	sdelay $0x4  }
0x263: {  	v62 =	vshrl.u32 v3, $0x3  }
0x264: {  	v4 =	vmul.u32 $0x30, v62  }
0x265: {  	v3 =	vand.u32 $0x7, v3  }
0x266: {  	v3 =	vor.u32 v3, v4  }
0x267: {  	v4 =	vperm.xlane v3, v0;
	_ =	sdelay $0x1  }
0x268: {  	v4 =	vadd.s32 v1, v4;
	_ =	sdelay $0x3  }
0x269: {  	s17 =	simm.s32 $0x12200;
	v3 =	vperm.xlane v3, v2  }
0x26a: {  	[tilespmem:s17], [sflag:$0x1] =	stream.indirect_vreg.gather [hbm4b:s1+s3], $0x80, v4, vm0, $0xb8;
	[tilespmem:$0x18200] =	vst v63  }
0x26b: {  	s18 =	simm.s32 $0x12A00;
	v3 =	vadd.s32 v1, v3  }
0x26c: {  	[tilespmem:s18], [sflag:$0x1] =	stream.indirect_vreg.gather [hbm4b:s5+s3], $0x80, v4, vm0, $0xb8;
	[tilespmem:$0x18200] =	vst v63  }
0x26d: {  	s19 =	simm.s32 $0x13200  }
0x26e: {  	[tilespmem:s19], [sflag:$0x1] =	stream.indirect_vreg.gather [hbm4b:s6+s3], $0x80, v4, vm0, $0xb8;
	[tilespmem:$0x18200] =	vst v63  }
0x26f: {  	s20 =	simm.s32 $0x13A00  }
0x270: {  	[tilespmem:s20], [sflag:$0x1] =	stream.indirect_vreg.gather [hbm4b:s1+s3], $0x80, v3, vm0, $0xb8;
	[tilespmem:$0x18200] =	vst v63  }
0x271: {  	s21 =	simm.s32 $0x14200  }
0x272: {  	[tilespmem:s21], [sflag:$0x1] =	stream.indirect_vreg.gather [hbm4b:s5+s3], $0x80, v3, vm0, $0xb8;
	[tilespmem:$0x18200] =	vst v63  }
0x273: {  	s22 =	simm.s32 $0x14A00  }
0x274: {  	[tilespmem:s22], [sflag:$0x1] =	stream.indirect_vreg.gather [hbm4b:s6+s3], $0x80, v3, vm0, $0xb8;
	[tilespmem:$0x18200] =	vst v63  }
0x275: {  	v3 =	vld [tilespmem:$0x1F0];
	_ =	sdelay $0x4  }
0x276: {  	v63 =	vshrl.u32 v3, $0x3  }
0x277: {  	v4 =	vmul.u32 $0x30, v63  }
0x278: {  	v3 =	vand.u32 $0x7, v3  }
0x279: {  	v3 =	vor.u32 v3, v4  }
0x27a: {  	v4 =	vperm.xlane v3, v0;
	_ =	sdelay $0x1  }
0x27b: {  	v4 =	vadd.s32 v1, v4;
	_ =	sdelay $0x3  }
0x27c: {  	s23 =	simm.s32 $0x15200;
	v3 =	vperm.xlane v3, v2  }
0x27d: {  	[tilespmem:s23], [sflag:$0x1] =	stream.indirect_vreg.gather [hbm4b:s1+s3], $0x80, v4, vm0, $0xb8;
	[tilespmem:$0x18200] =	vst v63  }
0x27e: {  	s24 =	simm.s32 $0x15A00;
	v3 =	vadd.s32 v1, v3  }
0x27f: {  	[tilespmem:s24], [sflag:$0x1] =	stream.indirect_vreg.gather [hbm4b:s5+s3], $0x80, v4, vm0, $0xb8;
	[tilespmem:$0x18200] =	vst v63  }
0x280: {  	s25 =	simm.s32 $0x16200  }
0x281: {  	[tilespmem:s25], [sflag:$0x1] =	stream.indirect_vreg.gather [hbm4b:s6+s3], $0x80, v4, vm0, $0xb8;
	[tilespmem:$0x18200] =	vst v63  }
0x282: {  	s26 =	simm.s32 $0x16A00  }
0x283: {  	[tilespmem:s26], [sflag:$0x1] =	stream.indirect_vreg.gather [hbm4b:s1+s3], $0x80, v3, vm0, $0xb8;
	[tilespmem:$0x18200] =	vst v63  }
0x284: {  	s28 =	simm.s32 $0x17200  }
0x285: {  	[tilespmem:s28], [sflag:$0x1] =	stream.indirect_vreg.gather [hbm4b:s5+s3], $0x80, v3, vm0, $0xb8;
	[tilespmem:$0x18200] =	vst v63  }
0x286: {  	s30 =	simm.s32 $0x17A00  }
0x287: {  	[tilespmem:s30], [sflag:$0x1] =	stream.indirect_vreg.gather [hbm4b:s6+s3], $0x80, v3, vm0, $0xb8;
	[tilespmem:$0x18200] =	vst v63  }
0x288: {  	_ =	swait.ge [sflag:s4], $0x18000  }
0x289: {  	p0 =	sne.s32 s7, $0x1;
	[sflag:s4] =	ssyncset.done $0x0  }
.Ltmp0:
0x28a: {  	s31 =	rddreg [dreg:$0x7];
	[sflag:s4] =	ssyncadd.s32 $0xFFFE8000;
	(pc) =	sbr.rel @p0 .LBB2_1-.Ltmp0, $4  }
0x28b: {  	[hbm4b:s31+s3] =	stream.linear.scatter [tilespmem:s29], [sflag:$0x2], $0x18000, $0x38;
	[tilespmem:$0x18200] =	vst v63  }
0x28c: {  	_ =	swait.ge [sflag:s8], $0x18000  }
0x28d: {  	[sflag:s8] =	ssyncset.done $0x0  }
0x28e: {  	s7 =	sadd.s32 $0xFFFFFFFF, s7;
	[sflag:s8] =	ssyncadd.s32 $0xFFFE8000  }
0x28f: {  	_ =	sfence.sel $0x180000  }
0x290: {  	[bflag:$0x0] =	sbarrier.arrive $0xFFFF  }
0x291: {  	_ =	strace $0x90000047  }
0x292: {  	s0 =	stileid.u32;
	[bflag:$0x2] =	sbarrier.arrive $0xFFFF  }
0x293: {  	p0 =	sne.s32 s0, $0x0;
	s0 =	rddreg [dreg:$0x3]  }
0x294: {  	s0 =	sadd.s32 @!p0 $0x100000, s0  }
0x295: {  	[sflag:s0] =	ssyncadd.tile.s32 @!p0 $0x1;
	_ =	shalt  }
.Lfunc_end2:
_tile_overlayer_lowered:
.L_overlay_start_2:
0x296: {  	(tag) =	ssettag $0x2  }
0x297: {  	s0 =	rddreg [dreg:$0x0];
	s2 =	stileid.u32  }
0x298: {  	s1 =	rddreg [dreg:$0x1];
	p0 =	sne.s32 s2, $0x0  }
0x299: {  	s3 =	rddreg [dreg:$0x2];
	[bflag:$0x3] =	sbarrier.arrive $0xFFFF;
	s2 =	simm.s32 @!p0 $0x1C02  }
0x29a: {  	[timem:s3], [sflag:s2] =	dma.local @!p0 [hbm:s0], s1  }
0x29b: {  	s0 =	simm.s32 @!p0 $0x2  }
0x29c: {  	_ =	swait.ge @!p0 [sflag:s0], s1  }
0x29d: {  	s1 =	ssub.s32 @!p0 $0x0, s1;
	[sflag:s0] =	ssyncset.done @!p0 $0x0  }
0x29e: {  	[sflag:s0] =	ssyncadd.s32 @!p0 s1  }
0x29f: {  	[bflag:$0x3] =	sbarrier.arrive $0xFFFF  }
0x2a0: {  	_ =	shalt  }

</sc_bundles>
